<compile_context>
chip_gen: v7x
topology: tpu7x:2x2x1
jax: 0.10.2.dev20260603
libtpu: 0.0.44.dev20260713+nightly
codegen_flags: <defaults>
</compile_context>

<pallas_src>
import jax
import jax.numpy as jnp
from jax import lax
from jax.experimental import pallas as pl
from jax.experimental.pallas import tpu as pltpu
from jax.experimental.pallas import tpu_sc as plsc

N = 10000
D = 128
H = 64
C = 16
K = 10
ALPHA = 0.1

NT = 16
RPT = 632
NPAD = NT * RPT
CW = 128
NCH = 157
EPT = NCH * CW
EPAD = NT * EPT

_MESH = plsc.VectorSubcoreMesh(
    core_axis_name="c", subcore_axis_name="s", num_cores=1)
_SC_PARAMS = pltpu.CompilerParams(use_tc_tiling_on_sc=False)


def _rsqrt16(d):
    i = lax.bitcast_convert_type(d, jnp.int32)
    i = 0x5F3759DF - lax.shift_right_arithmetic(i, 1)
    r = lax.bitcast_convert_type(i, jnp.float32)
    for _ in range(3):
        r = r * (1.5 - 0.5 * d * r * r)
    return r


def _graph_body(src_hbm, dst_hbm, h_hbm, yout_hbm, sdeg_hbm,
                y_sp, s_sp, mysrc, mydst, gbuf, gbuf2, sbuf, ybuf,
                c1t, c2t, sdbuf, sem, sem2):
    t = lax.axis_index("s")
    base = t * RPT
    rows = pl.ds(base, RPT)
    pltpu.sync_copy(src_hbm.at[t], mysrc)
    pltpu.sync_copy(dst_hbm.at[t], mydst)
    pltpu.sync_copy(h_hbm.at[rows], ybuf)

    def zrow(i, c):
        sbuf[i, :] = jnp.zeros((C,), jnp.float32)
        return c
    lax.fori_loop(0, RPT, zrow, 0)
    pltpu.sync_copy(sbuf, s_sp.at[rows])

    def fill_ones(i, c):
        gbuf[i, :] = jnp.ones((C,), jnp.float32)
        return c
    lax.fori_loop(0, CW, fill_ones, 0)
    plsc.subcore_barrier()

    def deg_chunk(j, c):
        pltpu.sync_copy(gbuf, s_sp.at[mydst.at[j]], add=True)
        return c
    lax.fori_loop(0, NCH, deg_chunk, 0)
    plsc.subcore_barrier()

    pltpu.sync_copy(s_sp.at[rows], sbuf)

    def prep_row(i, c):
        d = sbuf[i, :] + 1.0
        dinv = _rsqrt16(d)
        c1t[i, :] = (1.0 - ALPHA) * dinv * dinv
        y0 = dinv * ybuf[i, :]
        ybuf[i, :] = y0
        c2t[i, :] = ALPHA * y0
        sdbuf[i, :] = d * dinv
        sbuf[i, :] = jnp.zeros((C,), jnp.float32)
        return c
    lax.fori_loop(0, RPT, prep_row, 0)
    pltpu.sync_copy(sdbuf, sdeg_hbm.at[rows])
    pltpu.sync_copy(ybuf, y_sp.at[rows])
    pltpu.sync_copy(sbuf, s_sp.at[rows])
    plsc.subcore_barrier()

    def round_body(_, carry):
        pltpu.async_copy(y_sp.at[mysrc.at[0]], gbuf, sem)

        def pair(i, c):
            j = 2 * i
            pltpu.make_async_copy(y_sp.at[mysrc.at[j]], gbuf, sem).wait()
            hb = pltpu.async_copy(y_sp.at[mysrc.at[j + 1]], gbuf2, sem2)
            pltpu.sync_copy(gbuf, s_sp.at[mydst.at[j]], add=True)
            pltpu.async_copy(y_sp.at[mysrc.at[j + 2]], gbuf, sem)
            hb.wait()
            pltpu.sync_copy(gbuf2, s_sp.at[mydst.at[j + 1]], add=True)
            return c
        lax.fori_loop(0, (NCH - 1) // 2, pair, 0)
        pltpu.make_async_copy(y_sp.at[mysrc.at[NCH - 1]], gbuf, sem).wait()
        pltpu.sync_copy(gbuf, s_sp.at[mydst.at[NCH - 1]], add=True)
        plsc.subcore_barrier()
        pltpu.sync_copy(s_sp.at[rows], sbuf)

        def row(i, c):
            ybuf[i, :] = c1t[i, :] * (sbuf[i, :] + ybuf[i, :]) + c2t[i, :]
            sbuf[i, :] = jnp.zeros((C,), jnp.float32)
            return c
        lax.fori_loop(0, RPT, row, 0)
        pltpu.sync_copy(ybuf, y_sp.at[rows])
        pltpu.sync_copy(sbuf, s_sp.at[rows])
        plsc.subcore_barrier()
        return carry
    lax.fori_loop(0, K, round_body, 0)
    pltpu.sync_copy(ybuf, yout_hbm.at[rows])


_graph_call = pl.kernel(
    _graph_body,
    out_type=(
        jax.ShapeDtypeStruct((NPAD, C), jnp.float32),
        jax.ShapeDtypeStruct((NPAD, C), jnp.float32),
    ),
    mesh=_MESH,
    scratch_types=[
        pltpu.VMEM_SHARED((NPAD, C), jnp.float32),
        pltpu.VMEM_SHARED((NPAD, C), jnp.float32),
        pltpu.VMEM((NCH, CW), jnp.int32),
        pltpu.VMEM((NCH, CW), jnp.int32),
        pltpu.VMEM((CW, C), jnp.float32),
        pltpu.VMEM((CW, C), jnp.float32),
        pltpu.VMEM((RPT, C), jnp.float32),
        pltpu.VMEM((RPT, C), jnp.float32),
        pltpu.VMEM((RPT, C), jnp.float32),
        pltpu.VMEM((RPT, C), jnp.float32),
        pltpu.VMEM((RPT, C), jnp.float32),
        pltpu.SemaphoreType.DMA,
        pltpu.SemaphoreType.DMA,
    ],
    compiler_params=_SC_PARAMS,
)


def _mlp_body(x_ref, w1_ref, b1_ref, w2_ref, b2_ref, h_ref):
    h1 = jnp.maximum(
        jnp.dot(x_ref[...], w1_ref[...], preferred_element_type=jnp.float32)
        + b1_ref[...], 0.0)
    h_ref[...] = (
        jnp.dot(h1, w2_ref[...], preferred_element_type=jnp.float32)
        + b2_ref[...])


_mlp_call = pl.pallas_call(
    _mlp_body,
    out_shape=jax.ShapeDtypeStruct((NPAD, C), jnp.float32),
)


def _lsm_body(y_ref, sdeg_ref, out_ref):
    z = y_ref[...] * sdeg_ref[...]
    m = jnp.max(z, axis=1, keepdims=True)
    e = jnp.exp(z - m)
    out_ref[...] = z - m - jnp.log(jnp.sum(e, axis=1, keepdims=True))


_lsm_call = pl.pallas_call(
    _lsm_body,
    out_shape=jax.ShapeDtypeStruct((NPAD, C), jnp.float32),
)


def kernel(x, edge_index, W1, b1, W2, b2):
    src = edge_index[0].astype(jnp.int32)
    dst = edge_index[1].astype(jnp.int32)
    padv = jnp.full((EPAD - src.shape[0],), N, jnp.int32)
    src3 = jnp.concatenate([src, padv]).reshape(NT, NCH, CW)
    dst3 = jnp.concatenate([dst, padv]).reshape(NT, NCH, CW)
    xp = jnp.pad(x, ((0, NPAD - N), (0, 0)))

    h = _mlp_call(xp, W1, b1.reshape(1, H), W2, b2.reshape(1, C))
    y, sdeg = _graph_call(src3, dst3, h)
    out = _lsm_call(y, sdeg)
    return out[:N]

# --- scband reference (transcript-rebuilt; emitter-appended) ---
"""Pipeline reference for scband-net-3951369912443 (READ-ONLY COPY).

The authoritative reference and input builder live on the scoring server;
editing this copy changes nothing except your own understanding.
"""

import jax, jax.numpy as jnp
import numpy as np

N_NODES = 10000
N_EDGES = 320000
D_FEAT = 128
HIDDEN = 64
N_CLASSES = 16
K = 10
ALPHA = 0.1


def setup_inputs(seed: int = 0) -> dict:
    key = jax.random.key(seed)
    k1, k2, k3, k4, k5, k6 = jax.random.split(key, 6)
    x = jax.random.normal(k1, (N_NODES, D_FEAT), dtype=jnp.float32)
    edge_index = jax.random.randint(k2, (2, N_EDGES), 0, N_NODES, dtype=jnp.int64)
    W1 = jax.random.normal(k3, (D_FEAT, HIDDEN), dtype=jnp.float32) * (1.0 / np.sqrt(D_FEAT))
    b1 = jnp.zeros((HIDDEN,), dtype=jnp.float32)
    W2 = jax.random.normal(k4, (HIDDEN, N_CLASSES), dtype=jnp.float32) * (1.0 / np.sqrt(HIDDEN))
    b2 = jnp.zeros((N_CLASSES,), dtype=jnp.float32)
    return {"x": x, "edge_index": edge_index, "W1": W1, "b1": b1, "W2": W2, "b2": b2}


def reference(x, edge_index, W1, b1, W2, b2):
    # Eval mode: dropout is identity.
    N = x.shape[0]
    h = jnp.maximum(x @ W1 + b1, 0.0)  # lin1 + relu
    h = h @ W2 + b2                     # lin2
    # APPNP propagation with GCN-style symmetric normalization and self-loops
    self_loop = jnp.arange(N, dtype=edge_index.dtype)
    src = jnp.concatenate([edge_index[0], self_loop])
    dst = jnp.concatenate([edge_index[1], self_loop])
    deg = jnp.zeros((N,), dtype=jnp.float32).at[dst].add(1.0)
    dinv = jax.lax.rsqrt(jnp.maximum(deg, 1.0))
    norm = dinv[src] * dinv[dst]
    z = h
    for _ in range(K):
        msg = z[src] * norm[:, None]
        agg = jnp.zeros_like(z).at[dst].add(msg)
        z = (1.0 - ALPHA) * agg + ALPHA * h
    return jax.nn.log_softmax(z, axis=1)

if __name__ == "__main__":
    import jax
    _d = setup_inputs()
    print(jax.jit(kernel)(*tuple(_d.values())))

</pallas_src>

<mosaic_0001>
#map = affine_map<(d0, d1) -> (0, 0, 0)>
#map1 = affine_map<(d0, d1) -> (0, 0)>
module attributes {stable_mosaic.version = 14 : i64} {
  func.func @_graph_body(%arg0: i32, %arg1: i32, %arg2: memref<16x157x128xi32, #tpu.memory_space<hbm>>, %arg3: memref<16x157x128xi32, #tpu.memory_space<hbm>>, %arg4: memref<10112x16xf32, #tpu.memory_space<hbm>>, %arg5: memref<10112x16xf32, #tpu.memory_space<hbm>>, %arg6: memref<10112x16xf32, #tpu.memory_space<hbm>>, %arg7: memref<10112x16xf32, #tpu.memory_space<vmem_shared>>, %arg8: memref<10112x16xf32, #tpu.memory_space<vmem_shared>>, %arg9: memref<157x128xi32, #tpu.memory_space<vmem>>, %arg10: memref<157x128xi32, #tpu.memory_space<vmem>>, %arg11: memref<128x16xf32, #tpu.memory_space<vmem>>, %arg12: memref<128x16xf32, #tpu.memory_space<vmem>>, %arg13: memref<632x16xf32, #tpu.memory_space<vmem>>, %arg14: memref<632x16xf32, #tpu.memory_space<vmem>>, %arg15: memref<632x16xf32, #tpu.memory_space<vmem>>, %arg16: memref<632x16xf32, #tpu.memory_space<vmem>>, %arg17: memref<632x16xf32, #tpu.memory_space<vmem>>, %arg18: memref<!tpu.dma_semaphore, #tpu.memory_space<semaphore_mem>>, %arg19: memref<!tpu.dma_semaphore, #tpu.memory_space<semaphore_mem>>) attributes {dimension_semantics = [#tpu.dimension_semantics<core_parallel>, #tpu.dimension_semantics<subcore_parallel>], iteration_bounds = array<i64: 1, 16>, scalar_prefetch = 0 : i64, scratch_operands = 13 : i64, tpu.core_type = #tpu.core_type<sc_vector_subcore>, window_params = [{transform_indices = #map}, {transform_indices = #map}, {transform_indices = #map1}, {transform_indices = #map1}, {transform_indices = #map1}]} {
    %mul3A = arith.constant 632 : i32
    %mul3A_0 = arith.muli %arg1, %mul3A : i32
    "tpu.region"() ({
      %run_scoped3A = tpu.sem_alloc : memref<!tpu.dma_semaphore, #tpu.memory_space<semaphore_mem>>
      %dma_start3A = arith.constant 0 : i32
      %dma_start3A_32 = arith.constant 0 : i32
      %dma_start3A_33 = tpu.memref_slice %arg2[%arg1, %dma_start3A, %dma_start3A_32] : memref<16x157x128xi32, #tpu.memory_space<hbm>> -> memref<1x157x128xi32, #tpu.memory_space<hbm>>
      %dma_start3A_34 = tpu.memref_squeeze %dma_start3A_33 : memref<1x157x128xi32, #tpu.memory_space<hbm>> -> memref<157x128xi32, #tpu.memory_space<hbm>>
      %dma_start3A_35 = arith.constant 0 : i32
      %dma_start3A_36 = arith.constant 0 : i32
      %dma_start3A_37 = tpu.memref_slice %arg2[%arg1, %dma_start3A_35, %dma_start3A_36] : memref<16x157x128xi32, #tpu.memory_space<hbm>> -> memref<1x157x128xi32, #tpu.memory_space<hbm>>
      %dma_start3A_38 = tpu.memref_squeeze %dma_start3A_37 : memref<1x157x128xi32, #tpu.memory_space<hbm>> -> memref<157x128xi32, #tpu.memory_space<hbm>>
      tpu.enqueue_dma source(%dma_start3A_38 : memref<157x128xi32, #tpu.memory_space<hbm>>) target(%arg9 : memref<157x128xi32, #tpu.memory_space<vmem>>) target_semaphore(%run_scoped3A : memref<!tpu.dma_semaphore, #tpu.memory_space<semaphore_mem>>)
      %dma_wait3A = arith.constant 0 : i32
      %dma_wait3A_39 = arith.constant 0 : i32
      %dma_wait3A_40 = tpu.memref_slice %arg2[%arg1, %dma_wait3A, %dma_wait3A_39] : memref<16x157x128xi32, #tpu.memory_space<hbm>> -> memref<1x157x128xi32, #tpu.memory_space<hbm>>
      %dma_wait3A_41 = tpu.memref_squeeze %dma_wait3A_40 : memref<1x157x128xi32, #tpu.memory_space<hbm>> -> memref<157x128xi32, #tpu.memory_space<hbm>>
      %dma_wait3A_42 = arith.constant 0 : i32
      %dma_wait3A_43 = arith.constant 0 : i32
      %dma_wait3A_44 = tpu.memref_slice %arg2[%arg1, %dma_wait3A_42, %dma_wait3A_43] : memref<16x157x128xi32, #tpu.memory_space<hbm>> -> memref<1x157x128xi32, #tpu.memory_space<hbm>>
      %dma_wait3A_45 = tpu.memref_squeeze %dma_wait3A_44 : memref<1x157x128xi32, #tpu.memory_space<hbm>> -> memref<157x128xi32, #tpu.memory_space<hbm>>
      tpu.wait_dma2 semaphore(%run_scoped3A : memref<!tpu.dma_semaphore, #tpu.memory_space<semaphore_mem>>) src(%dma_wait3A_45 : memref<157x128xi32, #tpu.memory_space<hbm>>) dst(%arg9 : memref<157x128xi32, #tpu.memory_space<vmem>>)
      tpu.yield
    }) : () -> ()
    "tpu.region"() ({
      %run_scoped3A = tpu.sem_alloc : memref<!tpu.dma_semaphore, #tpu.memory_space<semaphore_mem>>
      %dma_start3A = arith.constant 0 : i32
      %dma_start3A_32 = arith.constant 0 : i32
      %dma_start3A_33 = tpu.memref_slice %arg3[%arg1, %dma_start3A, %dma_start3A_32] : memref<16x157x128xi32, #tpu.memory_space<hbm>> -> memref<1x157x128xi32, #tpu.memory_space<hbm>>
      %dma_start3A_34 = tpu.memref_squeeze %dma_start3A_33 : memref<1x157x128xi32, #tpu.memory_space<hbm>> -> memref<157x128xi32, #tpu.memory_space<hbm>>
      %dma_start3A_35 = arith.constant 0 : i32
      %dma_start3A_36 = arith.constant 0 : i32
      %dma_start3A_37 = tpu.memref_slice %arg3[%arg1, %dma_start3A_35, %dma_start3A_36] : memref<16x157x128xi32, #tpu.memory_space<hbm>> -> memref<1x157x128xi32, #tpu.memory_space<hbm>>
      %dma_start3A_38 = tpu.memref_squeeze %dma_start3A_37 : memref<1x157x128xi32, #tpu.memory_space<hbm>> -> memref<157x128xi32, #tpu.memory_space<hbm>>
      tpu.enqueue_dma source(%dma_start3A_38 : memref<157x128xi32, #tpu.memory_space<hbm>>) target(%arg10 : memref<157x128xi32, #tpu.memory_space<vmem>>) target_semaphore(%run_scoped3A : memref<!tpu.dma_semaphore, #tpu.memory_space<semaphore_mem>>)
      %dma_wait3A = arith.constant 0 : i32
      %dma_wait3A_39 = arith.constant 0 : i32
      %dma_wait3A_40 = tpu.memref_slice %arg3[%arg1, %dma_wait3A, %dma_wait3A_39] : memref<16x157x128xi32, #tpu.memory_space<hbm>> -> memref<1x157x128xi32, #tpu.memory_space<hbm>>
      %dma_wait3A_41 = tpu.memref_squeeze %dma_wait3A_40 : memref<1x157x128xi32, #tpu.memory_space<hbm>> -> memref<157x128xi32, #tpu.memory_space<hbm>>
      %dma_wait3A_42 = arith.constant 0 : i32
      %dma_wait3A_43 = arith.constant 0 : i32
      %dma_wait3A_44 = tpu.memref_slice %arg3[%arg1, %dma_wait3A_42, %dma_wait3A_43] : memref<16x157x128xi32, #tpu.memory_space<hbm>> -> memref<1x157x128xi32, #tpu.memory_space<hbm>>
      %dma_wait3A_45 = tpu.memref_squeeze %dma_wait3A_44 : memref<1x157x128xi32, #tpu.memory_space<hbm>> -> memref<157x128xi32, #tpu.memory_space<hbm>>
      tpu.wait_dma2 semaphore(%run_scoped3A : memref<!tpu.dma_semaphore, #tpu.memory_space<semaphore_mem>>) src(%dma_wait3A_45 : memref<157x128xi32, #tpu.memory_space<hbm>>) dst(%arg10 : memref<157x128xi32, #tpu.memory_space<vmem>>)
      tpu.yield
    }) : () -> ()
    "tpu.region"() ({
      %run_scoped3A = tpu.sem_alloc : memref<!tpu.dma_semaphore, #tpu.memory_space<semaphore_mem>>
      %dma_start3A = arith.constant 0 : i32
      %dma_start3A_32 = tpu.memref_slice %arg4[%mul3A_0, %dma_start3A] : memref<10112x16xf32, #tpu.memory_space<hbm>> -> memref<632x16xf32, #tpu.memory_space<hbm>>
      %dma_start3A_33 = arith.constant 0 : i32
      %dma_start3A_34 = tpu.memref_slice %arg4[%mul3A_0, %dma_start3A_33] : memref<10112x16xf32, #tpu.memory_space<hbm>> -> memref<632x16xf32, #tpu.memory_space<hbm>>
      tpu.enqueue_dma source(%dma_start3A_34 : memref<632x16xf32, #tpu.memory_space<hbm>>) target(%arg14 : memref<632x16xf32, #tpu.memory_space<vmem>>) target_semaphore(%run_scoped3A : memref<!tpu.dma_semaphore, #tpu.memory_space<semaphore_mem>>)
      %dma_wait3A = arith.constant 0 : i32
      %dma_wait3A_35 = tpu.memref_slice %arg4[%mul3A_0, %dma_wait3A] : memref<10112x16xf32, #tpu.memory_space<hbm>> -> memref<632x16xf32, #tpu.memory_space<hbm>>
      %dma_wait3A_36 = arith.constant 0 : i32
      %dma_wait3A_37 = tpu.memref_slice %arg4[%mul3A_0, %dma_wait3A_36] : memref<10112x16xf32, #tpu.memory_space<hbm>> -> memref<632x16xf32, #tpu.memory_space<hbm>>
      tpu.wait_dma2 semaphore(%run_scoped3A : memref<!tpu.dma_semaphore, #tpu.memory_space<semaphore_mem>>) src(%dma_wait3A_37 : memref<632x16xf32, #tpu.memory_space<hbm>>) dst(%arg14 : memref<632x16xf32, #tpu.memory_space<vmem>>)
      tpu.yield
    }) : () -> ()
    %scan3A = arith.constant 0 : i32
    %scan3A_1 = arith.constant 0 : i32
    %scan3A_2 = arith.constant 632 : i32
    %scan3A_3 = arith.addi %scan3A_1, %scan3A_2 : i32
    %scan3A_4 = arith.constant 1 : i32
    scf.for %scan3A_32 = %scan3A_1 to %scan3A_3 step %scan3A_4  : i32 {
      %broadcast_in_dim3A = arith.constant 0.000000e+00 : f32
      %broadcast_in_dim3A_33 = vector.broadcast %broadcast_in_dim3A : f32 to vector<16xf32>
      %swap3A = arith.index_cast %scan3A_32 : i32 to index
      %swap3A_34 = arith.constant 0 : index
      %swap3A_35 = tpu.vector_load %arg13[%swap3A, %swap3A_34] {strides = array<i32>} : memref<632x16xf32, #tpu.memory_space<vmem>>, vector<1x16xf32>,
      %swap3A_36 = vector.shape_cast %swap3A_35 : vector<1x16xf32> to vector<16xf32>
      %swap3A_37 = vector.shape_cast %broadcast_in_dim3A_33 : vector<16xf32> to vector<1x16xf32>
      tpu.vector_store %arg13[%swap3A, %swap3A_34], %swap3A_37 {strides = array<i32>} : memref<632x16xf32, #tpu.memory_space<vmem>>, vector<1x16xf32>,
    }
    %scan3A_5 = arith.constant 632 : i32
    "tpu.region"() ({
      %run_scoped3A = tpu.sem_alloc : memref<!tpu.dma_semaphore, #tpu.memory_space<semaphore_mem>>
      %dma_start3A = arith.constant 0 : i32
      %dma_start3A_32 = tpu.memref_slice %arg8[%mul3A_0, %dma_start3A] : memref<10112x16xf32, #tpu.memory_space<vmem_shared>> -> memref<632x16xf32, #tpu.memory_space<vmem_shared>>
      %dma_start3A_33 = arith.constant 0 : i32
      %dma_start3A_34 = tpu.memref_slice %arg8[%mul3A_0, %dma_start3A_33] : memref<10112x16xf32, #tpu.memory_space<vmem_shared>> -> memref<632x16xf32, #tpu.memory_space<vmem_shared>>
      tpu.enqueue_dma source(%arg13 : memref<632x16xf32, #tpu.memory_space<vmem>>) target(%dma_start3A_34 : memref<632x16xf32, #tpu.memory_space<vmem_shared>>) target_semaphore(%run_scoped3A : memref<!tpu.dma_semaphore, #tpu.memory_space<semaphore_mem>>)
      %dma_wait3A = arith.constant 0 : i32
      %dma_wait3A_35 = tpu.memref_slice %arg8[%mul3A_0, %dma_wait3A] : memref<10112x16xf32, #tpu.memory_space<vmem_shared>> -> memref<632x16xf32, #tpu.memory_space<vmem_shared>>
      %dma_wait3A_36 = arith.constant 0 : i32
      %dma_wait3A_37 = tpu.memref_slice %arg8[%mul3A_0, %dma_wait3A_36] : memref<10112x16xf32, #tpu.memory_space<vmem_shared>> -> memref<632x16xf32, #tpu.memory_space<vmem_shared>>
      tpu.wait_dma2 semaphore(%run_scoped3A : memref<!tpu.dma_semaphore, #tpu.memory_space<semaphore_mem>>) src(%arg13 : memref<632x16xf32, #tpu.memory_space<vmem>>) dst(%dma_wait3A_37 : memref<632x16xf32, #tpu.memory_space<vmem_shared>>)
      tpu.yield
    }) : () -> ()
    %scan3A_6 = arith.constant 0 : i32
    %scan3A_7 = arith.constant 0 : i32
    %scan3A_8 = arith.constant 128 : i32
    %scan3A_9 = arith.addi %scan3A_7, %scan3A_8 : i32
    %scan3A_10 = arith.constant 1 : i32
    scf.for %scan3A_32 = %scan3A_7 to %scan3A_9 step %scan3A_10  : i32 {
      %broadcast_in_dim3A = arith.constant 1.000000e+00 : f32
      %broadcast_in_dim3A_33 = vector.broadcast %broadcast_in_dim3A : f32 to vector<16xf32>
      %swap3A = arith.index_cast %scan3A_32 : i32 to index
      %swap3A_34 = arith.constant 0 : index
      %swap3A_35 = tpu.vector_load %arg11[%swap3A, %swap3A_34] {strides = array<i32>} : memref<128x16xf32, #tpu.memory_space<vmem>>, vector<1x16xf32>,
      %swap3A_36 = vector.shape_cast %swap3A_35 : vector<1x16xf32> to vector<16xf32>
      %swap3A_37 = vector.shape_cast %broadcast_in_dim3A_33 : vector<16xf32> to vector<1x16xf32>
      tpu.vector_store %arg11[%swap3A, %swap3A_34], %swap3A_37 {strides = array<i32>} : memref<128x16xf32, #tpu.memory_space<vmem>>, vector<1x16xf32>,
    }
    %scan3A_11 = arith.constant 128 : i32
    %barrier3A = arith.constant 0 : index
    tpu.barrier barrier_id(%barrier3A)
    %scan3A_12 = arith.constant 0 : i32
    %scan3A_13 = arith.constant 0 : i32
    %scan3A_14 = arith.constant 157 : i32
    %scan3A_15 = arith.addi %scan3A_13, %scan3A_14 : i32
    %scan3A_16 = arith.constant 1 : i32
    scf.for %scan3A_32 = %scan3A_13 to %scan3A_15 step %scan3A_16  : i32 {
      "tpu.region"() ({
        %run_scoped3A = tpu.sem_alloc : memref<!tpu.dma_semaphore, #tpu.memory_space<semaphore_mem>>
        %dma_start3A = arith.constant 0 : i32
        %dma_start3A_33 = tpu.memref_slice %arg10[%scan3A_32, %dma_start3A] : memref<157x128xi32, #tpu.memory_space<vmem>> -> memref<1x128xi32, #tpu.memory_space<vmem>>
        %dma_start3A_34 = tpu.memref_squeeze %dma_start3A_33 : memref<1x128xi32, #tpu.memory_space<vmem>> -> memref<128xi32, #tpu.memory_space<vmem>>
        %dma_start3A_35 = arith.constant 0 : i32
        %dma_start3A_36 = arith.constant 0 : i32
        %dma_start3A_37 = tpu.memref_slice %arg8[%dma_start3A_35, %dma_start3A_36] : memref<10112x16xf32, #tpu.memory_space<vmem_shared>> -> memref<10112x16xf32, #tpu.memory_space<vmem_shared>>
        tpu.enqueue_indirect_dma source(%arg11 : memref<128x16xf32, #tpu.memory_space<vmem>>) target(%dma_start3A_37 : memref<10112x16xf32, #tpu.memory_space<vmem_shared>>) offsets(%dma_start3A_34 : memref<128xi32, #tpu.memory_space<vmem>>) semaphore(%run_scoped3A : memref<!tpu.dma_semaphore, #tpu.memory_space<semaphore_mem>>) {add = true}
        %dma_wait3A = arith.constant 0 : i32
        %dma_wait3A_38 = tpu.memref_slice %arg10[%scan3A_32, %dma_wait3A] : memref<157x128xi32, #tpu.memory_space<vmem>> -> memref<1x128xi32, #tpu.memory_space<vmem>>
        %dma_wait3A_39 = tpu.memref_squeeze %dma_wait3A_38 : memref<1x128xi32, #tpu.memory_space<vmem>> -> memref<128xi32, #tpu.memory_space<vmem>>
        %dma_wait3A_40 = arith.constant 0 : i32
        %dma_wait3A_41 = arith.constant 0 : i32
        %dma_wait3A_42 = tpu.memref_slice %arg8[%dma_wait3A_40, %dma_wait3A_41] : memref<10112x16xf32, #tpu.memory_space<vmem_shared>> -> memref<10112x16xf32, #tpu.memory_space<vmem_shared>>
        tpu.wait_indirect_dma semaphore(%run_scoped3A : memref<!tpu.dma_semaphore, #tpu.memory_space<semaphore_mem>>) src(%arg11 : memref<128x16xf32, #tpu.memory_space<vmem>>) dst(%dma_wait3A_42 : memref<10112x16xf32, #tpu.memory_space<vmem_shared>>)
        tpu.yield
      }) : () -> ()
    }
    %scan3A_17 = arith.constant 157 : i32
    %barrier3A_18 = arith.constant 0 : index
    tpu.barrier barrier_id(%barrier3A_18)
    "tpu.region"() ({
      %run_scoped3A = tpu.sem_alloc : memref<!tpu.dma_semaphore, #tpu.memory_space<semaphore_mem>>
      %dma_start3A = arith.constant 0 : i32
      %dma_start3A_32 = tpu.memref_slice %arg8[%mul3A_0, %dma_start3A] : memref<10112x16xf32, #tpu.memory_space<vmem_shared>> -> memref<632x16xf32, #tpu.memory_space<vmem_shared>>
      %dma_start3A_33 = arith.constant 0 : i32
      %dma_start3A_34 = tpu.memref_slice %arg8[%mul3A_0, %dma_start3A_33] : memref<10112x16xf32, #tpu.memory_space<vmem_shared>> -> memref<632x16xf32, #tpu.memory_space<vmem_shared>>
      tpu.enqueue_dma source(%dma_start3A_34 : memref<632x16xf32, #tpu.memory_space<vmem_shared>>) target(%arg13 : memref<632x16xf32, #tpu.memory_space<vmem>>) target_semaphore(%run_scoped3A : memref<!tpu.dma_semaphore, #tpu.memory_space<semaphore_mem>>)
      %dma_wait3A = arith.constant 0 : i32
      %dma_wait3A_35 = tpu.memref_slice %arg8[%mul3A_0, %dma_wait3A] : memref<10112x16xf32, #tpu.memory_space<vmem_shared>> -> memref<632x16xf32, #tpu.memory_space<vmem_shared>>
      %dma_wait3A_36 = arith.constant 0 : i32
      %dma_wait3A_37 = tpu.memref_slice %arg8[%mul3A_0, %dma_wait3A_36] : memref<10112x16xf32, #tpu.memory_space<vmem_shared>> -> memref<632x16xf32, #tpu.memory_space<vmem_shared>>
      tpu.wait_dma2 semaphore(%run_scoped3A : memref<!tpu.dma_semaphore, #tpu.memory_space<semaphore_mem>>) src(%dma_wait3A_37 : memref<632x16xf32, #tpu.memory_space<vmem_shared>>) dst(%arg13 : memref<632x16xf32, #tpu.memory_space<vmem>>)
      tpu.yield
    }) : () -> ()
    %scan3A_19 = arith.constant 0 : i32
    %scan3A_20 = arith.constant 0 : i32
    %scan3A_21 = arith.constant 632 : i32
    %scan3A_22 = arith.addi %scan3A_20, %scan3A_21 : i32
    %scan3A_23 = arith.constant 1 : i32
    scf.for %scan3A_32 = %scan3A_20 to %scan3A_22 step %scan3A_23  : i32 {
      %get3A = arith.index_cast %scan3A_32 : i32 to index
      %get3A_33 = arith.constant 0 : index
      %get3A_34 = tpu.vector_load %arg13[%get3A, %get3A_33] {strides = array<i32>} : memref<632x16xf32, #tpu.memory_space<vmem>>, vector<1x16xf32>,
      %get3A_35 = vector.shape_cast %get3A_34 : vector<1x16xf32> to vector<16xf32>
      %add3A = arith.constant 1.000000e+00 : f32
      %add3A_36 = vector.broadcast %add3A : f32 to vector<16xf32>
      %add3A_37 = arith.addf %get3A_35, %add3A_36 : vector<16xf32>
      %bitcast_convert_type3A = tpu.bitcast %add3A_37 : vector<16xf32> -> vector<16xi32>
      %shift_right_arithmetic3A = arith.constant 1 : i32
      %shift_right_arithmetic3A_38 = vector.broadcast %shift_right_arithmetic3A : i32 to vector<16xi32>
      %shift_right_arithmetic3A_39 = arith.shrsi %bitcast_convert_type3A, %shift_right_arithmetic3A_38 : vector<16xi32>
      %sub3A = arith.constant 1597463007 : i32
      %sub3A_40 = vector.broadcast %sub3A : i32 to vector<16xi32>
      %sub3A_41 = arith.subi %sub3A_40, %shift_right_arithmetic3A_39 : vector<16xi32>
      %bitcast_convert_type3A_42 = tpu.bitcast %sub3A_41 : vector<16xi32> -> vector<16xf32>
      %mul3A_43 = arith.constant 5.000000e-01 : f32
      %mul3A_44 = vector.broadcast %mul3A_43 : f32 to vector<16xf32>
      %mul3A_45 = arith.mulf %mul3A_44, %add3A_37 : vector<16xf32>
      %mul3A_46 = arith.mulf %mul3A_45, %bitcast_convert_type3A_42 : vector<16xf32>
      %mul3A_47 = arith.mulf %mul3A_46, %bitcast_convert_type3A_42 : vector<16xf32>
      %sub3A_48 = arith.constant 1.500000e+00 : f32
      %sub3A_49 = vector.broadcast %sub3A_48 : f32 to vector<16xf32>
      %sub3A_50 = arith.subf %sub3A_49, %mul3A_47 : vector<16xf32>
      %mul3A_51 = arith.mulf %bitcast_convert_type3A_42, %sub3A_50 : vector<16xf32>
      %mul3A_52 = arith.constant 5.000000e-01 : f32
      %mul3A_53 = vector.broadcast %mul3A_52 : f32 to vector<16xf32>
      %mul3A_54 = arith.mulf %mul3A_53, %add3A_37 : vector<16xf32>
      %mul3A_55 = arith.mulf %mul3A_54, %mul3A_51 : vector<16xf32>
      %mul3A_56 = arith.mulf %mul3A_55, %mul3A_51 : vector<16xf32>
      %sub3A_57 = arith.constant 1.500000e+00 : f32
      %sub3A_58 = vector.broadcast %sub3A_57 : f32 to vector<16xf32>
      %sub3A_59 = arith.subf %sub3A_58, %mul3A_56 : vector<16xf32>
      %mul3A_60 = arith.mulf %mul3A_51, %sub3A_59 : vector<16xf32>
      %mul3A_61 = arith.constant 5.000000e-01 : f32
      %mul3A_62 = vector.broadcast %mul3A_61 : f32 to vector<16xf32>
      %mul3A_63 = arith.mulf %mul3A_62, %add3A_37 : vector<16xf32>
      %mul3A_64 = arith.mulf %mul3A_63, %mul3A_60 : vector<16xf32>
      %mul3A_65 = arith.mulf %mul3A_64, %mul3A_60 : vector<16xf32>
      %sub3A_66 = arith.constant 1.500000e+00 : f32
      %sub3A_67 = vector.broadcast %sub3A_66 : f32 to vector<16xf32>
      %sub3A_68 = arith.subf %sub3A_67, %mul3A_65 : vector<16xf32>
      %mul3A_69 = arith.mulf %mul3A_60, %sub3A_68 : vector<16xf32>
      %mul3A_70 = arith.constant 0.899999976 : f32
      %mul3A_71 = vector.broadcast %mul3A_70 : f32 to vector<16xf32>
      %mul3A_72 = arith.mulf %mul3A_71, %mul3A_69 : vector<16xf32>
      %mul3A_73 = arith.mulf %mul3A_72, %mul3A_69 : vector<16xf32>
      %swap3A = arith.index_cast %scan3A_32 : i32 to index
      %swap3A_74 = arith.constant 0 : index
      %swap3A_75 = tpu.vector_load %arg15[%swap3A, %swap3A_74] {strides = array<i32>} : memref<632x16xf32, #tpu.memory_space<vmem>>, vector<1x16xf32>,
      %swap3A_76 = vector.shape_cast %swap3A_75 : vector<1x16xf32> to vector<16xf32>
      %swap3A_77 = vector.shape_cast %mul3A_73 : vector<16xf32> to vector<1x16xf32>
      tpu.vector_store %arg15[%swap3A, %swap3A_74], %swap3A_77 {strides = array<i32>} : memref<632x16xf32, #tpu.memory_space<vmem>>, vector<1x16xf32>,
      %get3A_78 = arith.index_cast %scan3A_32 : i32 to index
      %get3A_79 = arith.constant 0 : index
      %get3A_80 = tpu.vector_load %arg14[%get3A_78, %get3A_79] {strides = array<i32>} : memref<632x16xf32, #tpu.memory_space<vmem>>, vector<1x16xf32>,
      %get3A_81 = vector.shape_cast %get3A_80 : vector<1x16xf32> to vector<16xf32>
      %mul3A_82 = arith.mulf %mul3A_69, %get3A_81 : vector<16xf32>
      %swap3A_83 = arith.index_cast %scan3A_32 : i32 to index
      %swap3A_84 = arith.constant 0 : index
      %swap3A_85 = tpu.vector_load %arg14[%swap3A_83, %swap3A_84] {strides = array<i32>} : memref<632x16xf32, #tpu.memory_space<vmem>>, vector<1x16xf32>,
      %swap3A_86 = vector.shape_cast %swap3A_85 : vector<1x16xf32> to vector<16xf32>
      %swap3A_87 = vector.shape_cast %mul3A_82 : vector<16xf32> to vector<1x16xf32>
      tpu.vector_store %arg14[%swap3A_83, %swap3A_84], %swap3A_87 {strides = array<i32>} : memref<632x16xf32, #tpu.memory_space<vmem>>, vector<1x16xf32>,
      %mul3A_88 = arith.constant 1.000000e-01 : f32
      %mul3A_89 = vector.broadcast %mul3A_88 : f32 to vector<16xf32>
      %mul3A_90 = arith.mulf %mul3A_89, %mul3A_82 : vector<16xf32>
      %swap3A_91 = arith.index_cast %scan3A_32 : i32 to index
      %swap3A_92 = arith.constant 0 : index
      %swap3A_93 = tpu.vector_load %arg16[%swap3A_91, %swap3A_92] {strides = array<i32>} : memref<632x16xf32, #tpu.memory_space<vmem>>, vector<1x16xf32>,
      %swap3A_94 = vector.shape_cast %swap3A_93 : vector<1x16xf32> to vector<16xf32>
      %swap3A_95 = vector.shape_cast %mul3A_90 : vector<16xf32> to vector<1x16xf32>
      tpu.vector_store %arg16[%swap3A_91, %swap3A_92], %swap3A_95 {strides = array<i32>} : memref<632x16xf32, #tpu.memory_space<vmem>>, vector<1x16xf32>,
      %mul3A_96 = arith.mulf %add3A_37, %mul3A_69 : vector<16xf32>
      %swap3A_97 = arith.index_cast %scan3A_32 : i32 to index
      %swap3A_98 = arith.constant 0 : index
      %swap3A_99 = tpu.vector_load %arg17[%swap3A_97, %swap3A_98] {strides = array<i32>} : memref<632x16xf32, #tpu.memory_space<vmem>>, vector<1x16xf32>,
      %swap3A_100 = vector.shape_cast %swap3A_99 : vector<1x16xf32> to vector<16xf32>
      %swap3A_101 = vector.shape_cast %mul3A_96 : vector<16xf32> to vector<1x16xf32>
      tpu.vector_store %arg17[%swap3A_97, %swap3A_98], %swap3A_101 {strides = array<i32>} : memref<632x16xf32, #tpu.memory_space<vmem>>, vector<1x16xf32>,
      %broadcast_in_dim3A = arith.constant 0.000000e+00 : f32
      %broadcast_in_dim3A_102 = vector.broadcast %broadcast_in_dim3A : f32 to vector<16xf32>
      %swap3A_103 = arith.index_cast %scan3A_32 : i32 to index
      %swap3A_104 = arith.constant 0 : index
      %swap3A_105 = tpu.vector_load %arg13[%swap3A_103, %swap3A_104] {strides = array<i32>} : memref<632x16xf32, #tpu.memory_space<vmem>>, vector<1x16xf32>,
      %swap3A_106 = vector.shape_cast %swap3A_105 : vector<1x16xf32> to vector<16xf32>
      %swap3A_107 = vector.shape_cast %broadcast_in_dim3A_102 : vector<16xf32> to vector<1x16xf32>
      tpu.vector_store %arg13[%swap3A_103, %swap3A_104], %swap3A_107 {strides = array<i32>} : memref<632x16xf32, #tpu.memory_space<vmem>>, vector<1x16xf32>,
    }
    %scan3A_24 = arith.constant 632 : i32
    "tpu.region"() ({
      %run_scoped3A = tpu.sem_alloc : memref<!tpu.dma_semaphore, #tpu.memory_space<semaphore_mem>>
      %dma_start3A = arith.constant 0 : i32
      %dma_start3A_32 = tpu.memref_slice %arg6[%mul3A_0, %dma_start3A] : memref<10112x16xf32, #tpu.memory_space<hbm>> -> memref<632x16xf32, #tpu.memory_space<hbm>>
      %dma_start3A_33 = arith.constant 0 : i32
      %dma_start3A_34 = tpu.memref_slice %arg6[%mul3A_0, %dma_start3A_33] : memref<10112x16xf32, #tpu.memory_space<hbm>> -> memref<632x16xf32, #tpu.memory_space<hbm>>
      tpu.enqueue_dma source(%arg17 : memref<632x16xf32, #tpu.memory_space<vmem>>) target(%dma_start3A_34 : memref<632x16xf32, #tpu.memory_space<hbm>>) target_semaphore(%run_scoped3A : memref<!tpu.dma_semaphore, #tpu.memory_space<semaphore_mem>>)
      %dma_wait3A = arith.constant 0 : i32
      %dma_wait3A_35 = tpu.memref_slice %arg6[%mul3A_0, %dma_wait3A] : memref<10112x16xf32, #tpu.memory_space<hbm>> -> memref<632x16xf32, #tpu.memory_space<hbm>>
      %dma_wait3A_36 = arith.constant 0 : i32
      %dma_wait3A_37 = tpu.memref_slice %arg6[%mul3A_0, %dma_wait3A_36] : memref<10112x16xf32, #tpu.memory_space<hbm>> -> memref<632x16xf32, #tpu.memory_space<hbm>>
      tpu.wait_dma2 semaphore(%run_scoped3A : memref<!tpu.dma_semaphore, #tpu.memory_space<semaphore_mem>>) src(%arg17 : memref<632x16xf32, #tpu.memory_space<vmem>>) dst(%dma_wait3A_37 : memref<632x16xf32, #tpu.memory_space<hbm>>)
      tpu.yield
    }) : () -> ()
    "tpu.region"() ({
      %run_scoped3A = tpu.sem_alloc : memref<!tpu.dma_semaphore, #tpu.memory_space<semaphore_mem>>
      %dma_start3A = arith.constant 0 : i32
      %dma_start3A_32 = tpu.memref_slice %arg7[%mul3A_0, %dma_start3A] : memref<10112x16xf32, #tpu.memory_space<vmem_shared>> -> memref<632x16xf32, #tpu.memory_space<vmem_shared>>
      %dma_start3A_33 = arith.constant 0 : i32
      %dma_start3A_34 = tpu.memref_slice %arg7[%mul3A_0, %dma_start3A_33] : memref<10112x16xf32, #tpu.memory_space<vmem_shared>> -> memref<632x16xf32, #tpu.memory_space<vmem_shared>>
      tpu.enqueue_dma source(%arg14 : memref<632x16xf32, #tpu.memory_space<vmem>>) target(%dma_start3A_34 : memref<632x16xf32, #tpu.memory_space<vmem_shared>>) target_semaphore(%run_scoped3A : memref<!tpu.dma_semaphore, #tpu.memory_space<semaphore_mem>>)
      %dma_wait3A = arith.constant 0 : i32
      %dma_wait3A_35 = tpu.memref_slice %arg7[%mul3A_0, %dma_wait3A] : memref<10112x16xf32, #tpu.memory_space<vmem_shared>> -> memref<632x16xf32, #tpu.memory_space<vmem_shared>>
      %dma_wait3A_36 = arith.constant 0 : i32
      %dma_wait3A_37 = tpu.memref_slice %arg7[%mul3A_0, %dma_wait3A_36] : memref<10112x16xf32, #tpu.memory_space<vmem_shared>> -> memref<632x16xf32, #tpu.memory_space<vmem_shared>>
      tpu.wait_dma2 semaphore(%run_scoped3A : memref<!tpu.dma_semaphore, #tpu.memory_space<semaphore_mem>>) src(%arg14 : memref<632x16xf32, #tpu.memory_space<vmem>>) dst(%dma_wait3A_37 : memref<632x16xf32, #tpu.memory_space<vmem_shared>>)
      tpu.yield
    }) : () -> ()
    "tpu.region"() ({
      %run_scoped3A = tpu.sem_alloc : memref<!tpu.dma_semaphore, #tpu.memory_space<semaphore_mem>>
      %dma_start3A = arith.constant 0 : i32
      %dma_start3A_32 = tpu.memref_slice %arg8[%mul3A_0, %dma_start3A] : memref<10112x16xf32, #tpu.memory_space<vmem_shared>> -> memref<632x16xf32, #tpu.memory_space<vmem_shared>>
      %dma_start3A_33 = arith.constant 0 : i32
      %dma_start3A_34 = tpu.memref_slice %arg8[%mul3A_0, %dma_start3A_33] : memref<10112x16xf32, #tpu.memory_space<vmem_shared>> -> memref<632x16xf32, #tpu.memory_space<vmem_shared>>
      tpu.enqueue_dma source(%arg13 : memref<632x16xf32, #tpu.memory_space<vmem>>) target(%dma_start3A_34 : memref<632x16xf32, #tpu.memory_space<vmem_shared>>) target_semaphore(%run_scoped3A : memref<!tpu.dma_semaphore, #tpu.memory_space<semaphore_mem>>)
      %dma_wait3A = arith.constant 0 : i32
      %dma_wait3A_35 = tpu.memref_slice %arg8[%mul3A_0, %dma_wait3A] : memref<10112x16xf32, #tpu.memory_space<vmem_shared>> -> memref<632x16xf32, #tpu.memory_space<vmem_shared>>
      %dma_wait3A_36 = arith.constant 0 : i32
      %dma_wait3A_37 = tpu.memref_slice %arg8[%mul3A_0, %dma_wait3A_36] : memref<10112x16xf32, #tpu.memory_space<vmem_shared>> -> memref<632x16xf32, #tpu.memory_space<vmem_shared>>
      tpu.wait_dma2 semaphore(%run_scoped3A : memref<!tpu.dma_semaphore, #tpu.memory_space<semaphore_mem>>) src(%arg13 : memref<632x16xf32, #tpu.memory_space<vmem>>) dst(%dma_wait3A_37 : memref<632x16xf32, #tpu.memory_space<vmem_shared>>)
      tpu.yield
    }) : () -> ()
    %barrier3A_25 = arith.constant 0 : index
    tpu.barrier barrier_id(%barrier3A_25)
    %scan3A_26 = arith.constant 0 : i32
    %scan3A_27 = arith.constant 0 : i32
    %scan3A_28 = arith.constant 10 : i32
    %scan3A_29 = arith.addi %scan3A_27, %scan3A_28 : i32
    %scan3A_30 = arith.constant 1 : i32
    scf.for %scan3A_32 = %scan3A_27 to %scan3A_29 step %scan3A_30  : i32 {
      %dma_start3A = arith.constant 0 : i32
      %dma_start3A_33 = arith.constant 0 : i32
      %dma_start3A_34 = tpu.memref_slice %arg9[%dma_start3A, %dma_start3A_33] : memref<157x128xi32, #tpu.memory_space<vmem>> -> memref<1x128xi32, #tpu.memory_space<vmem>>
      %dma_start3A_35 = tpu.memref_squeeze %dma_start3A_34 : memref<1x128xi32, #tpu.memory_space<vmem>> -> memref<128xi32, #tpu.memory_space<vmem>>
      %dma_start3A_36 = arith.constant 0 : i32
      %dma_start3A_37 = arith.constant 0 : i32
      %dma_start3A_38 = tpu.memref_slice %arg7[%dma_start3A_36, %dma_start3A_37] : memref<10112x16xf32, #tpu.memory_space<vmem_shared>> -> memref<10112x16xf32, #tpu.memory_space<vmem_shared>>
      tpu.enqueue_indirect_dma source(%dma_start3A_38 : memref<10112x16xf32, #tpu.memory_space<vmem_shared>>) target(%arg11 : memref<128x16xf32, #tpu.memory_space<vmem>>) offsets(%dma_start3A_35 : memref<128xi32, #tpu.memory_space<vmem>>) semaphore(%arg18 : memref<!tpu.dma_semaphore, #tpu.memory_space<semaphore_mem>>)
      %scan3A_39 = arith.constant 0 : i32
      %scan3A_40 = arith.constant 0 : i32
      %scan3A_41 = arith.constant 78 : i32
      %scan3A_42 = arith.addi %scan3A_40, %scan3A_41 : i32
      %scan3A_43 = arith.constant 1 : i32
      scf.for %scan3A_59 = %scan3A_40 to %scan3A_42 step %scan3A_43  : i32 {
        %mul3A_60 = arith.constant 2 : i32
        %mul3A_61 = arith.muli %mul3A_60, %scan3A_59 : i32
        %dma_wait3A_62 = arith.constant 0 : i32
        %dma_wait3A_63 = tpu.memref_slice %arg9[%mul3A_61, %dma_wait3A_62] : memref<157x128xi32, #tpu.memory_space<vmem>> -> memref<1x128xi32, #tpu.memory_space<vmem>>
        %dma_wait3A_64 = tpu.memref_squeeze %dma_wait3A_63 : memref<1x128xi32, #tpu.memory_space<vmem>> -> memref<128xi32, #tpu.memory_space<vmem>>
        %dma_wait3A_65 = arith.constant 0 : i32
        %dma_wait3A_66 = arith.constant 0 : i32
        %dma_wait3A_67 = tpu.memref_slice %arg7[%dma_wait3A_65, %dma_wait3A_66] : memref<10112x16xf32, #tpu.memory_space<vmem_shared>> -> memref<10112x16xf32, #tpu.memory_space<vmem_shared>>
        tpu.wait_indirect_dma semaphore(%arg18 : memref<!tpu.dma_semaphore, #tpu.memory_space<semaphore_mem>>) src(%dma_wait3A_67 : memref<10112x16xf32, #tpu.memory_space<vmem_shared>>) dst(%arg11 : memref<128x16xf32, #tpu.memory_space<vmem>>)
        %add3A = arith.constant 1 : i32
        %add3A_68 = arith.addi %mul3A_61, %add3A : i32
        %dma_start3A_69 = arith.constant 0 : i32
        %dma_start3A_70 = tpu.memref_slice %arg9[%add3A_68, %dma_start3A_69] : memref<157x128xi32, #tpu.memory_space<vmem>> -> memref<1x128xi32, #tpu.memory_space<vmem>>
        %dma_start3A_71 = tpu.memref_squeeze %dma_start3A_70 : memref<1x128xi32, #tpu.memory_space<vmem>> -> memref<128xi32, #tpu.memory_space<vmem>>
        %dma_start3A_72 = arith.constant 0 : i32
        %dma_start3A_73 = arith.constant 0 : i32
        %dma_start3A_74 = tpu.memref_slice %arg7[%dma_start3A_72, %dma_start3A_73] : memref<10112x16xf32, #tpu.memory_space<vmem_shared>> -> memref<10112x16xf32, #tpu.memory_space<vmem_shared>>
        tpu.enqueue_indirect_dma source(%dma_start3A_74 : memref<10112x16xf32, #tpu.memory_space<vmem_shared>>) target(%arg12 : memref<128x16xf32, #tpu.memory_space<vmem>>) offsets(%dma_start3A_71 : memref<128xi32, #tpu.memory_space<vmem>>) semaphore(%arg19 : memref<!tpu.dma_semaphore, #tpu.memory_space<semaphore_mem>>)
        "tpu.region"() ({
          %run_scoped3A_91 = tpu.sem_alloc : memref<!tpu.dma_semaphore, #tpu.memory_space<semaphore_mem>>
          %dma_start3A_92 = arith.constant 0 : i32
          %dma_start3A_93 = tpu.memref_slice %arg10[%mul3A_61, %dma_start3A_92] : memref<157x128xi32, #tpu.memory_space<vmem>> -> memref<1x128xi32, #tpu.memory_space<vmem>>
          %dma_start3A_94 = tpu.memref_squeeze %dma_start3A_93 : memref<1x128xi32, #tpu.memory_space<vmem>> -> memref<128xi32, #tpu.memory_space<vmem>>
          %dma_start3A_95 = arith.constant 0 : i32
          %dma_start3A_96 = arith.constant 0 : i32
          %dma_start3A_97 = tpu.memref_slice %arg8[%dma_start3A_95, %dma_start3A_96] : memref<10112x16xf32, #tpu.memory_space<vmem_shared>> -> memref<10112x16xf32, #tpu.memory_space<vmem_shared>>
          tpu.enqueue_indirect_dma source(%arg11 : memref<128x16xf32, #tpu.memory_space<vmem>>) target(%dma_start3A_97 : memref<10112x16xf32, #tpu.memory_space<vmem_shared>>) offsets(%dma_start3A_94 : memref<128xi32, #tpu.memory_space<vmem>>) semaphore(%run_scoped3A_91 : memref<!tpu.dma_semaphore, #tpu.memory_space<semaphore_mem>>) {add = true}
          %dma_wait3A_98 = arith.constant 0 : i32
          %dma_wait3A_99 = tpu.memref_slice %arg10[%mul3A_61, %dma_wait3A_98] : memref<157x128xi32, #tpu.memory_space<vmem>> -> memref<1x128xi32, #tpu.memory_space<vmem>>
          %dma_wait3A_100 = tpu.memref_squeeze %dma_wait3A_99 : memref<1x128xi32, #tpu.memory_space<vmem>> -> memref<128xi32, #tpu.memory_space<vmem>>
          %dma_wait3A_101 = arith.constant 0 : i32
          %dma_wait3A_102 = arith.constant 0 : i32
          %dma_wait3A_103 = tpu.memref_slice %arg8[%dma_wait3A_101, %dma_wait3A_102] : memref<10112x16xf32, #tpu.memory_space<vmem_shared>> -> memref<10112x16xf32, #tpu.memory_space<vmem_shared>>
          tpu.wait_indirect_dma semaphore(%run_scoped3A_91 : memref<!tpu.dma_semaphore, #tpu.memory_space<semaphore_mem>>) src(%arg11 : memref<128x16xf32, #tpu.memory_space<vmem>>) dst(%dma_wait3A_103 : memref<10112x16xf32, #tpu.memory_space<vmem_shared>>)
          tpu.yield
        }) : () -> ()
        %add3A_75 = arith.constant 2 : i32
        %add3A_76 = arith.addi %mul3A_61, %add3A_75 : i32
        %dma_start3A_77 = arith.constant 0 : i32
        %dma_start3A_78 = tpu.memref_slice %arg9[%add3A_76, %dma_start3A_77] : memref<157x128xi32, #tpu.memory_space<vmem>> -> memref<1x128xi32, #tpu.memory_space<vmem>>
        %dma_start3A_79 = tpu.memref_squeeze %dma_start3A_78 : memref<1x128xi32, #tpu.memory_space<vmem>> -> memref<128xi32, #tpu.memory_space<vmem>>
        %dma_start3A_80 = arith.constant 0 : i32
        %dma_start3A_81 = arith.constant 0 : i32
        %dma_start3A_82 = tpu.memref_slice %arg7[%dma_start3A_80, %dma_start3A_81] : memref<10112x16xf32, #tpu.memory_space<vmem_shared>> -> memref<10112x16xf32, #tpu.memory_space<vmem_shared>>
        tpu.enqueue_indirect_dma source(%dma_start3A_82 : memref<10112x16xf32, #tpu.memory_space<vmem_shared>>) target(%arg11 : memref<128x16xf32, #tpu.memory_space<vmem>>) offsets(%dma_start3A_79 : memref<128xi32, #tpu.memory_space<vmem>>) semaphore(%arg18 : memref<!tpu.dma_semaphore, #tpu.memory_space<semaphore_mem>>)
        %dma_wait3A_83 = arith.constant 0 : i32
        %dma_wait3A_84 = tpu.memref_slice %arg9[%add3A_68, %dma_wait3A_83] : memref<157x128xi32, #tpu.memory_space<vmem>> -> memref<1x128xi32, #tpu.memory_space<vmem>>
        %dma_wait3A_85 = tpu.memref_squeeze %dma_wait3A_84 : memref<1x128xi32, #tpu.memory_space<vmem>> -> memref<128xi32, #tpu.memory_space<vmem>>
        %dma_wait3A_86 = arith.constant 0 : i32
        %dma_wait3A_87 = arith.constant 0 : i32
        %dma_wait3A_88 = tpu.memref_slice %arg7[%dma_wait3A_86, %dma_wait3A_87] : memref<10112x16xf32, #tpu.memory_space<vmem_shared>> -> memref<10112x16xf32, #tpu.memory_space<vmem_shared>>
        tpu.wait_indirect_dma semaphore(%arg19 : memref<!tpu.dma_semaphore, #tpu.memory_space<semaphore_mem>>) src(%dma_wait3A_88 : memref<10112x16xf32, #tpu.memory_space<vmem_shared>>) dst(%arg12 : memref<128x16xf32, #tpu.memory_space<vmem>>)
        %add3A_89 = arith.constant 1 : i32
        %add3A_90 = arith.addi %mul3A_61, %add3A_89 : i32
        "tpu.region"() ({
          %run_scoped3A_91 = tpu.sem_alloc : memref<!tpu.dma_semaphore, #tpu.memory_space<semaphore_mem>>
          %dma_start3A_92 = arith.constant 0 : i32
          %dma_start3A_93 = tpu.memref_slice %arg10[%add3A_90, %dma_start3A_92] : memref<157x128xi32, #tpu.memory_space<vmem>> -> memref<1x128xi32, #tpu.memory_space<vmem>>
          %dma_start3A_94 = tpu.memref_squeeze %dma_start3A_93 : memref<1x128xi32, #tpu.memory_space<vmem>> -> memref<128xi32, #tpu.memory_space<vmem>>
          %dma_start3A_95 = arith.constant 0 : i32
          %dma_start3A_96 = arith.constant 0 : i32
          %dma_start3A_97 = tpu.memref_slice %arg8[%dma_start3A_95, %dma_start3A_96] : memref<10112x16xf32, #tpu.memory_space<vmem_shared>> -> memref<10112x16xf32, #tpu.memory_space<vmem_shared>>
          tpu.enqueue_indirect_dma source(%arg12 : memref<128x16xf32, #tpu.memory_space<vmem>>) target(%dma_start3A_97 : memref<10112x16xf32, #tpu.memory_space<vmem_shared>>) offsets(%dma_start3A_94 : memref<128xi32, #tpu.memory_space<vmem>>) semaphore(%run_scoped3A_91 : memref<!tpu.dma_semaphore, #tpu.memory_space<semaphore_mem>>) {add = true}
          %dma_wait3A_98 = arith.constant 0 : i32
          %dma_wait3A_99 = tpu.memref_slice %arg10[%add3A_90, %dma_wait3A_98] : memref<157x128xi32, #tpu.memory_space<vmem>> -> memref<1x128xi32, #tpu.memory_space<vmem>>
          %dma_wait3A_100 = tpu.memref_squeeze %dma_wait3A_99 : memref<1x128xi32, #tpu.memory_space<vmem>> -> memref<128xi32, #tpu.memory_space<vmem>>
          %dma_wait3A_101 = arith.constant 0 : i32
          %dma_wait3A_102 = arith.constant 0 : i32
          %dma_wait3A_103 = tpu.memref_slice %arg8[%dma_wait3A_101, %dma_wait3A_102] : memref<10112x16xf32, #tpu.memory_space<vmem_shared>> -> memref<10112x16xf32, #tpu.memory_space<vmem_shared>>
          tpu.wait_indirect_dma semaphore(%run_scoped3A_91 : memref<!tpu.dma_semaphore, #tpu.memory_space<semaphore_mem>>) src(%arg12 : memref<128x16xf32, #tpu.memory_space<vmem>>) dst(%dma_wait3A_103 : memref<10112x16xf32, #tpu.memory_space<vmem_shared>>)
          tpu.yield
        }) : () -> ()
      }
      %scan3A_44 = arith.constant 78 : i32
      %dma_wait3A = arith.constant 156 : i32
      %dma_wait3A_45 = arith.constant 0 : i32
      %dma_wait3A_46 = tpu.memref_slice %arg9[%dma_wait3A, %dma_wait3A_45] : memref<157x128xi32, #tpu.memory_space<vmem>> -> memref<1x128xi32, #tpu.memory_space<vmem>>
      %dma_wait3A_47 = tpu.memref_squeeze %dma_wait3A_46 : memref<1x128xi32, #tpu.memory_space<vmem>> -> memref<128xi32, #tpu.memory_space<vmem>>
      %dma_wait3A_48 = arith.constant 0 : i32
      %dma_wait3A_49 = arith.constant 0 : i32
      %dma_wait3A_50 = tpu.memref_slice %arg7[%dma_wait3A_48, %dma_wait3A_49] : memref<10112x16xf32, #tpu.memory_space<vmem_shared>> -> memref<10112x16xf32, #tpu.memory_space<vmem_shared>>
      tpu.wait_indirect_dma semaphore(%arg18 : memref<!tpu.dma_semaphore, #tpu.memory_space<semaphore_mem>>) src(%dma_wait3A_50 : memref<10112x16xf32, #tpu.memory_space<vmem_shared>>) dst(%arg11 : memref<128x16xf32, #tpu.memory_space<vmem>>)
      %run_scoped3A = arith.constant 156 : i32
      "tpu.region"() ({
        %run_scoped3A_59 = tpu.sem_alloc : memref<!tpu.dma_semaphore, #tpu.memory_space<semaphore_mem>>
        %dma_start3A_60 = arith.constant 0 : i32
        %dma_start3A_61 = tpu.memref_slice %arg10[%run_scoped3A, %dma_start3A_60] : memref<157x128xi32, #tpu.memory_space<vmem>> -> memref<1x128xi32, #tpu.memory_space<vmem>>
        %dma_start3A_62 = tpu.memref_squeeze %dma_start3A_61 : memref<1x128xi32, #tpu.memory_space<vmem>> -> memref<128xi32, #tpu.memory_space<vmem>>
        %dma_start3A_63 = arith.constant 0 : i32
        %dma_start3A_64 = arith.constant 0 : i32
        %dma_start3A_65 = tpu.memref_slice %arg8[%dma_start3A_63, %dma_start3A_64] : memref<10112x16xf32, #tpu.memory_space<vmem_shared>> -> memref<10112x16xf32, #tpu.memory_space<vmem_shared>>
        tpu.enqueue_indirect_dma source(%arg11 : memref<128x16xf32, #tpu.memory_space<vmem>>) target(%dma_start3A_65 : memref<10112x16xf32, #tpu.memory_space<vmem_shared>>) offsets(%dma_start3A_62 : memref<128xi32, #tpu.memory_space<vmem>>) semaphore(%run_scoped3A_59 : memref<!tpu.dma_semaphore, #tpu.memory_space<semaphore_mem>>) {add = true}
        %dma_wait3A_66 = arith.constant 0 : i32
        %dma_wait3A_67 = tpu.memref_slice %arg10[%run_scoped3A, %dma_wait3A_66] : memref<157x128xi32, #tpu.memory_space<vmem>> -> memref<1x128xi32, #tpu.memory_space<vmem>>
        %dma_wait3A_68 = tpu.memref_squeeze %dma_wait3A_67 : memref<1x128xi32, #tpu.memory_space<vmem>> -> memref<128xi32, #tpu.memory_space<vmem>>
        %dma_wait3A_69 = arith.constant 0 : i32
        %dma_wait3A_70 = arith.constant 0 : i32
        %dma_wait3A_71 = tpu.memref_slice %arg8[%dma_wait3A_69, %dma_wait3A_70] : memref<10112x16xf32, #tpu.memory_space<vmem_shared>> -> memref<10112x16xf32, #tpu.memory_space<vmem_shared>>
        tpu.wait_indirect_dma semaphore(%run_scoped3A_59 : memref<!tpu.dma_semaphore, #tpu.memory_space<semaphore_mem>>) src(%arg11 : memref<128x16xf32, #tpu.memory_space<vmem>>) dst(%dma_wait3A_71 : memref<10112x16xf32, #tpu.memory_space<vmem_shared>>)
        tpu.yield
      }) : () -> ()
      %barrier3A_51 = arith.constant 0 : index
      tpu.barrier barrier_id(%barrier3A_51)
      "tpu.region"() ({
        %run_scoped3A_59 = tpu.sem_alloc : memref<!tpu.dma_semaphore, #tpu.memory_space<semaphore_mem>>
        %dma_start3A_60 = arith.constant 0 : i32
        %dma_start3A_61 = tpu.memref_slice %arg8[%mul3A_0, %dma_start3A_60] : memref<10112x16xf32, #tpu.memory_space<vmem_shared>> -> memref<632x16xf32, #tpu.memory_space<vmem_shared>>
        %dma_start3A_62 = arith.constant 0 : i32
        %dma_start3A_63 = tpu.memref_slice %arg8[%mul3A_0, %dma_start3A_62] : memref<10112x16xf32, #tpu.memory_space<vmem_shared>> -> memref<632x16xf32, #tpu.memory_space<vmem_shared>>
        tpu.enqueue_dma source(%dma_start3A_63 : memref<632x16xf32, #tpu.memory_space<vmem_shared>>) target(%arg13 : memref<632x16xf32, #tpu.memory_space<vmem>>) target_semaphore(%run_scoped3A_59 : memref<!tpu.dma_semaphore, #tpu.memory_space<semaphore_mem>>)
        %dma_wait3A_64 = arith.constant 0 : i32
        %dma_wait3A_65 = tpu.memref_slice %arg8[%mul3A_0, %dma_wait3A_64] : memref<10112x16xf32, #tpu.memory_space<vmem_shared>> -> memref<632x16xf32, #tpu.memory_space<vmem_shared>>
        %dma_wait3A_66 = arith.constant 0 : i32
        %dma_wait3A_67 = tpu.memref_slice %arg8[%mul3A_0, %dma_wait3A_66] : memref<10112x16xf32, #tpu.memory_space<vmem_shared>> -> memref<632x16xf32, #tpu.memory_space<vmem_shared>>
        tpu.wait_dma2 semaphore(%run_scoped3A_59 : memref<!tpu.dma_semaphore, #tpu.memory_space<semaphore_mem>>) src(%dma_wait3A_67 : memref<632x16xf32, #tpu.memory_space<vmem_shared>>) dst(%arg13 : memref<632x16xf32, #tpu.memory_space<vmem>>)
        tpu.yield
      }) : () -> ()
      %scan3A_52 = arith.constant 0 : i32
      %scan3A_53 = arith.constant 0 : i32
      %scan3A_54 = arith.constant 632 : i32
      %scan3A_55 = arith.addi %scan3A_53, %scan3A_54 : i32
      %scan3A_56 = arith.constant 1 : i32
      scf.for %scan3A_59 = %scan3A_53 to %scan3A_55 step %scan3A_56  : i32 {
        %get3A = arith.index_cast %scan3A_59 : i32 to index
        %get3A_60 = arith.constant 0 : index
        %get3A_61 = tpu.vector_load %arg15[%get3A, %get3A_60] {strides = array<i32>} : memref<632x16xf32, #tpu.memory_space<vmem>>, vector<1x16xf32>,
        %get3A_62 = vector.shape_cast %get3A_61 : vector<1x16xf32> to vector<16xf32>
        %get3A_63 = arith.index_cast %scan3A_59 : i32 to index
        %get3A_64 = arith.constant 0 : index
        %get3A_65 = tpu.vector_load %arg13[%get3A_63, %get3A_64] {strides = array<i32>} : memref<632x16xf32, #tpu.memory_space<vmem>>, vector<1x16xf32>,
        %get3A_66 = vector.shape_cast %get3A_65 : vector<1x16xf32> to vector<16xf32>
        %get3A_67 = arith.index_cast %scan3A_59 : i32 to index
        %get3A_68 = arith.constant 0 : index
        %get3A_69 = tpu.vector_load %arg14[%get3A_67, %get3A_68] {strides = array<i32>} : memref<632x16xf32, #tpu.memory_space<vmem>>, vector<1x16xf32>,
        %get3A_70 = vector.shape_cast %get3A_69 : vector<1x16xf32> to vector<16xf32>
        %add3A = arith.addf %get3A_66, %get3A_70 : vector<16xf32>
        %mul3A_71 = arith.mulf %get3A_62, %add3A : vector<16xf32>
        %get3A_72 = arith.index_cast %scan3A_59 : i32 to index
        %get3A_73 = arith.constant 0 : index
        %get3A_74 = tpu.vector_load %arg16[%get3A_72, %get3A_73] {strides = array<i32>} : memref<632x16xf32, #tpu.memory_space<vmem>>, vector<1x16xf32>,
        %get3A_75 = vector.shape_cast %get3A_74 : vector<1x16xf32> to vector<16xf32>
        %add3A_76 = arith.addf %mul3A_71, %get3A_75 : vector<16xf32>
        %swap3A = arith.index_cast %scan3A_59 : i32 to index
        %swap3A_77 = arith.constant 0 : index
        %swap3A_78 = tpu.vector_load %arg14[%swap3A, %swap3A_77] {strides = array<i32>} : memref<632x16xf32, #tpu.memory_space<vmem>>, vector<1x16xf32>,
        %swap3A_79 = vector.shape_cast %swap3A_78 : vector<1x16xf32> to vector<16xf32>
        %swap3A_80 = vector.shape_cast %add3A_76 : vector<16xf32> to vector<1x16xf32>
        tpu.vector_store %arg14[%swap3A, %swap3A_77], %swap3A_80 {strides = array<i32>} : memref<632x16xf32, #tpu.memory_space<vmem>>, vector<1x16xf32>,
        %broadcast_in_dim3A = arith.constant 0.000000e+00 : f32
        %broadcast_in_dim3A_81 = vector.broadcast %broadcast_in_dim3A : f32 to vector<16xf32>
        %swap3A_82 = arith.index_cast %scan3A_59 : i32 to index
        %swap3A_83 = arith.constant 0 : index
        %swap3A_84 = tpu.vector_load %arg13[%swap3A_82, %swap3A_83] {strides = array<i32>} : memref<632x16xf32, #tpu.memory_space<vmem>>, vector<1x16xf32>,
        %swap3A_85 = vector.shape_cast %swap3A_84 : vector<1x16xf32> to vector<16xf32>
        %swap3A_86 = vector.shape_cast %broadcast_in_dim3A_81 : vector<16xf32> to vector<1x16xf32>
        tpu.vector_store %arg13[%swap3A_82, %swap3A_83], %swap3A_86 {strides = array<i32>} : memref<632x16xf32, #tpu.memory_space<vmem>>, vector<1x16xf32>,
      }
      %scan3A_57 = arith.constant 632 : i32
      "tpu.region"() ({
        %run_scoped3A_59 = tpu.sem_alloc : memref<!tpu.dma_semaphore, #tpu.memory_space<semaphore_mem>>
        %dma_start3A_60 = arith.constant 0 : i32
        %dma_start3A_61 = tpu.memref_slice %arg7[%mul3A_0, %dma_start3A_60] : memref<10112x16xf32, #tpu.memory_space<vmem_shared>> -> memref<632x16xf32, #tpu.memory_space<vmem_shared>>
        %dma_start3A_62 = arith.constant 0 : i32
        %dma_start3A_63 = tpu.memref_slice %arg7[%mul3A_0, %dma_start3A_62] : memref<10112x16xf32, #tpu.memory_space<vmem_shared>> -> memref<632x16xf32, #tpu.memory_space<vmem_shared>>
        tpu.enqueue_dma source(%arg14 : memref<632x16xf32, #tpu.memory_space<vmem>>) target(%dma_start3A_63 : memref<632x16xf32, #tpu.memory_space<vmem_shared>>) target_semaphore(%run_scoped3A_59 : memref<!tpu.dma_semaphore, #tpu.memory_space<semaphore_mem>>)
        %dma_wait3A_64 = arith.constant 0 : i32
        %dma_wait3A_65 = tpu.memref_slice %arg7[%mul3A_0, %dma_wait3A_64] : memref<10112x16xf32, #tpu.memory_space<vmem_shared>> -> memref<632x16xf32, #tpu.memory_space<vmem_shared>>
        %dma_wait3A_66 = arith.constant 0 : i32
        %dma_wait3A_67 = tpu.memref_slice %arg7[%mul3A_0, %dma_wait3A_66] : memref<10112x16xf32, #tpu.memory_space<vmem_shared>> -> memref<632x16xf32, #tpu.memory_space<vmem_shared>>
        tpu.wait_dma2 semaphore(%run_scoped3A_59 : memref<!tpu.dma_semaphore, #tpu.memory_space<semaphore_mem>>) src(%arg14 : memref<632x16xf32, #tpu.memory_space<vmem>>) dst(%dma_wait3A_67 : memref<632x16xf32, #tpu.memory_space<vmem_shared>>)
        tpu.yield
      }) : () -> ()
      "tpu.region"() ({
        %run_scoped3A_59 = tpu.sem_alloc : memref<!tpu.dma_semaphore, #tpu.memory_space<semaphore_mem>>
        %dma_start3A_60 = arith.constant 0 : i32
        %dma_start3A_61 = tpu.memref_slice %arg8[%mul3A_0, %dma_start3A_60] : memref<10112x16xf32, #tpu.memory_space<vmem_shared>> -> memref<632x16xf32, #tpu.memory_space<vmem_shared>>
        %dma_start3A_62 = arith.constant 0 : i32
        %dma_start3A_63 = tpu.memref_slice %arg8[%mul3A_0, %dma_start3A_62] : memref<10112x16xf32, #tpu.memory_space<vmem_shared>> -> memref<632x16xf32, #tpu.memory_space<vmem_shared>>
        tpu.enqueue_dma source(%arg13 : memref<632x16xf32, #tpu.memory_space<vmem>>) target(%dma_start3A_63 : memref<632x16xf32, #tpu.memory_space<vmem_shared>>) target_semaphore(%run_scoped3A_59 : memref<!tpu.dma_semaphore, #tpu.memory_space<semaphore_mem>>)
        %dma_wait3A_64 = arith.constant 0 : i32
        %dma_wait3A_65 = tpu.memref_slice %arg8[%mul3A_0, %dma_wait3A_64] : memref<10112x16xf32, #tpu.memory_space<vmem_shared>> -> memref<632x16xf32, #tpu.memory_space<vmem_shared>>
        %dma_wait3A_66 = arith.constant 0 : i32
        %dma_wait3A_67 = tpu.memref_slice %arg8[%mul3A_0, %dma_wait3A_66] : memref<10112x16xf32, #tpu.memory_space<vmem_shared>> -> memref<632x16xf32, #tpu.memory_space<vmem_shared>>
        tpu.wait_dma2 semaphore(%run_scoped3A_59 : memref<!tpu.dma_semaphore, #tpu.memory_space<semaphore_mem>>) src(%arg13 : memref<632x16xf32, #tpu.memory_space<vmem>>) dst(%dma_wait3A_67 : memref<632x16xf32, #tpu.memory_space<vmem_shared>>)
        tpu.yield
      }) : () -> ()
      %barrier3A_58 = arith.constant 0 : index
      tpu.barrier barrier_id(%barrier3A_58)
    }
    %scan3A_31 = arith.constant 10 : i32
    "tpu.region"() ({
      %run_scoped3A = tpu.sem_alloc : memref<!tpu.dma_semaphore, #tpu.memory_space<semaphore_mem>>
      %dma_start3A = arith.constant 0 : i32
      %dma_start3A_32 = tpu.memref_slice %arg5[%mul3A_0, %dma_start3A] : memref<10112x16xf32, #tpu.memory_space<hbm>> -> memref<632x16xf32, #tpu.memory_space<hbm>>
      %dma_start3A_33 = arith.constant 0 : i32
      %dma_start3A_34 = tpu.memref_slice %arg5[%mul3A_0, %dma_start3A_33] : memref<10112x16xf32, #tpu.memory_space<hbm>> -> memref<632x16xf32, #tpu.memory_space<hbm>>
      tpu.enqueue_dma source(%arg14 : memref<632x16xf32, #tpu.memory_space<vmem>>) target(%dma_start3A_34 : memref<632x16xf32, #tpu.memory_space<hbm>>) target_semaphore(%run_scoped3A : memref<!tpu.dma_semaphore, #tpu.memory_space<semaphore_mem>>)
      %dma_wait3A = arith.constant 0 : i32
      %dma_wait3A_35 = tpu.memref_slice %arg5[%mul3A_0, %dma_wait3A] : memref<10112x16xf32, #tpu.memory_space<hbm>> -> memref<632x16xf32, #tpu.memory_space<hbm>>
      %dma_wait3A_36 = arith.constant 0 : i32
      %dma_wait3A_37 = tpu.memref_slice %arg5[%mul3A_0, %dma_wait3A_36] : memref<10112x16xf32, #tpu.memory_space<hbm>> -> memref<632x16xf32, #tpu.memory_space<hbm>>
      tpu.wait_dma2 semaphore(%run_scoped3A : memref<!tpu.dma_semaphore, #tpu.memory_space<semaphore_mem>>) src(%arg14 : memref<632x16xf32, #tpu.memory_space<vmem>>) dst(%dma_wait3A_37 : memref<632x16xf32, #tpu.memory_space<hbm>>)
      tpu.yield
    }) : () -> ()
    return
  }
}

module attributes {stable_mosaic.version = 14 : i64} {
  func.func @_mlp_body(%arg0: memref<10112x128xf32, #tpu.memory_space<vmem>>, %arg1: memref<128x64xf32, #tpu.memory_space<vmem>>, %arg2: memref<1x64xf32, #tpu.memory_space<vmem>>, %arg3: memref<64x16xf32, #tpu.memory_space<vmem>>, %arg4: memref<1x16xf32, #tpu.memory_space<vmem>>, %arg5: memref<10112x16xf32, #tpu.memory_space<vmem>>) attributes {dimension_semantics = [], scalar_prefetch = 0 : i64, scratch_operands = 0 : i64, tpu.core_type = #tpu.core_type<tc>} {
    %get3A = arith.constant 0 : index
    %get3A_0 = arith.constant 0 : index
    %get3A_1 = vector.load %arg0[%get3A, %get3A_0] : memref<10112x128xf32, #tpu.memory_space<vmem>>, vector<10112x128xf32>
    %get3A_2 = arith.constant 0 : index
    %get3A_3 = arith.constant 0 : index
    %get3A_4 = vector.load %arg1[%get3A_2, %get3A_3] : memref<128x64xf32, #tpu.memory_space<vmem>>, vector<128x64xf32>
    %dot_general3A = arith.constant dense<0.000000e+00> : vector<10112x64xf32>
    %dot_general3A_5 = tpu.matmul %get3A_1, %get3A_4, %dot_general3A {dimension_numbers = #tpu.dot_dimension_numbers<[1], [0], [0], [1], [0, 0, 1, 1], [], []>, transpose_lhs_hint = false} : vector<10112x128xf32>, vector<128x64xf32>, vector<10112x64xf32> -> vector<10112x64xf32>
    %get3A_6 = arith.constant 0 : index
    %get3A_7 = arith.constant 0 : index
    %get3A_8 = vector.load %arg2[%get3A_6, %get3A_7] : memref<1x64xf32, #tpu.memory_space<vmem>>, vector<1x64xf32>
    %add3A = vector.broadcast %get3A_8 : vector<1x64xf32> to vector<10112x64xf32>
    %add3A_9 = arith.addf %dot_general3A_5, %add3A : vector<10112x64xf32>
    %max3A = arith.constant 0.000000e+00 : f32
    %max3A_10 = vector.broadcast %max3A : f32 to vector<10112x64xf32>
    %max3A_11 = arith.maximumf %add3A_9, %max3A_10 : vector<10112x64xf32>
    %get3A_12 = arith.constant 0 : index
    %get3A_13 = arith.constant 0 : index
    %get3A_14 = vector.load %arg3[%get3A_12, %get3A_13] : memref<64x16xf32, #tpu.memory_space<vmem>>, vector<64x16xf32>
    %dot_general3A_15 = arith.constant dense<0.000000e+00> : vector<10112x16xf32>
    %dot_general3A_16 = tpu.matmul %max3A_11, %get3A_14, %dot_general3A_15 {dimension_numbers = #tpu.dot_dimension_numbers<[1], [0], [0], [1], [0, 0, 1, 1], [], []>, transpose_lhs_hint = false} : vector<10112x64xf32>, vector<64x16xf32>, vector<10112x16xf32> -> vector<10112x16xf32>
    %get3A_17 = arith.constant 0 : index
    %get3A_18 = arith.constant 0 : index
    %get3A_19 = vector.load %arg4[%get3A_17, %get3A_18] : memref<1x16xf32, #tpu.memory_space<vmem>>, vector<1x16xf32>
    %add3A_20 = vector.broadcast %get3A_19 : vector<1x16xf32> to vector<10112x16xf32>
    %add3A_21 = arith.addf %dot_general3A_16, %add3A_20 : vector<10112x16xf32>
    %swap3A = arith.constant 0 : index
    %swap3A_22 = arith.constant 0 : index
    %swap3A_23 = vector.load %arg5[%swap3A, %swap3A_22] : memref<10112x16xf32, #tpu.memory_space<vmem>>, vector<10112x16xf32>
    tpu.vector_store %arg5[%swap3A, %swap3A_22], %add3A_21 {strides = array<i32>} : memref<10112x16xf32, #tpu.memory_space<vmem>>, vector<10112x16xf32>,
    return
  }
}

module attributes {stable_mosaic.version = 14 : i64} {
  func.func @_lsm_body(%arg0: memref<10112x16xf32, #tpu.memory_space<vmem>>, %arg1: memref<10112x16xf32, #tpu.memory_space<vmem>>, %arg2: memref<10112x16xf32, #tpu.memory_space<vmem>>) attributes {dimension_semantics = [], scalar_prefetch = 0 : i64, scratch_operands = 0 : i64, tpu.core_type = #tpu.core_type<tc>} {
    %get3A = arith.constant 0 : index
    %get3A_0 = arith.constant 0 : index
    %get3A_1 = vector.load %arg0[%get3A, %get3A_0] : memref<10112x16xf32, #tpu.memory_space<vmem>>, vector<10112x16xf32>
    %get3A_2 = arith.constant 0 : index
    %get3A_3 = arith.constant 0 : index
    %get3A_4 = vector.load %arg1[%get3A_2, %get3A_3] : memref<10112x16xf32, #tpu.memory_space<vmem>>, vector<10112x16xf32>
    %mul3A = arith.mulf %get3A_1, %get3A_4 : vector<10112x16xf32>
    %reduce_max3A = arith.constant dense<0xFF800000> : vector<10112xf32>
    %reduce_max3A_5 = vector.multi_reduction <maximumf>, %mul3A, %reduce_max3A [1] : vector<10112x16xf32> to vector<10112xf32>
    %broadcast_in_dim3A = vector.shape_cast %reduce_max3A_5 : vector<10112xf32> to vector<10112x1xf32>
    %sub3A = vector.broadcast %broadcast_in_dim3A : vector<10112x1xf32> to vector<10112x16xf32>
    %sub3A_6 = arith.subf %mul3A, %sub3A : vector<10112x16xf32>
    %exp3A = math.exp %sub3A_6 : vector<10112x16xf32>
    %sub3A_7 = vector.broadcast %broadcast_in_dim3A : vector<10112x1xf32> to vector<10112x16xf32>
    %sub3A_8 = arith.subf %mul3A, %sub3A_7 : vector<10112x16xf32>
    %reduce_sum3A = arith.constant dense<0.000000e+00> : vector<10112xf32>
    %reduce_sum3A_9 = vector.multi_reduction <add>, %exp3A, %reduce_sum3A [1] : vector<10112x16xf32> to vector<10112xf32>
    %broadcast_in_dim3A_10 = vector.shape_cast %reduce_sum3A_9 : vector<10112xf32> to vector<10112x1xf32>
    %log3A = math.log %broadcast_in_dim3A_10 : vector<10112x1xf32>
    %sub3A_11 = vector.broadcast %log3A : vector<10112x1xf32> to vector<10112x16xf32>
    %sub3A_12 = arith.subf %sub3A_8, %sub3A_11 : vector<10112x16xf32>
    %swap3A = arith.constant 0 : index
    %swap3A_13 = arith.constant 0 : index
    %swap3A_14 = vector.load %arg2[%swap3A, %swap3A_13] : memref<10112x16xf32, #tpu.memory_space<vmem>>, vector<10112x16xf32>
    tpu.vector_store %arg2[%swap3A, %swap3A_13], %sub3A_12 {strides = array<i32>} : memref<10112x16xf32, #tpu.memory_space<vmem>>, vector<10112x16xf32>,
    return
  }
}

</mosaic_0001>

<sc_bundles>
// kernel: kernel.5.cloned.1.call-start
scs
__scs_entry_jumppad:
0x0: {  	(pc) =	sbr.rel $0x88, $3  }
0x1: {  	(tag) =	ssettag $0x0;
	lr =	simm.s32 $0x1  }
0x2: {  	[smem:$0x3F9B] =	sst lr;
	_ =	strace $0xD0000000  }
0x3: {  	_ = 	snop  }
0x4: {  	_ = 	snop  }
0x5: {  	_ = 	snop  }
0x6: {  	_ = 	snop  }
0x7: {  	_ = 	snop  }
__scs_overlays_trampoline_lowered:
0x8: {  	[smem:$0x3FAA] =	sst s0  }
0x9: {  	[smem:$0x3FAB] =	sst s1  }
0xa: {  	[smem:$0x3FAC] =	sst s2  }
0xb: {  	[smem:$0x3FAD] =	sst s3  }
0xc: {  	[smem:$0x3FAE] =	sst s4  }
0xd: {  	[smem:$0x3FAF] =	sst s5  }
0xe: {  	[smem:$0x3FB0] =	sst s6  }
0xf: {  	[smem:$0x3FB1] =	sst s7  }
0x10: {  	[smem:$0x3FB2] =	sst s8  }
0x11: {  	[smem:$0x3FB3] =	sst s9;
	s0 =	simm.s32 @!p0 $0x0  }
0x12: {  	s1 =	sld [smem:$0x3F99];
	s0 =	simm.s32 @p0 $0x1  }
0x13: {  	[smem:$0x3FB4] =	sst s0;
	s0 =	simm.s32 @!p1 $0x0  }
0x14: {  	s2 =	sld [smem:$0x3F98];
	s0 =	simm.s32 @p1 $0x1  }
0x15: {  	[smem:$0x3FB5] =	sst s0;
	s0 =	simm.s32 @!p2 $0x0  }
0x16: {  	s3 =	sld [smem:$0x3FDB];
	s0 =	simm.s32 @p2 $0x1  }
0x17: {  	s4 =	simm.s32 $0x1BF5;
	[smem:$0x3FB7] =	sst s0  }
0x18: {  	s0 =	sld [smem:$0x3F9A];
	_ =	swait.ge [sflag:s4], $0x0  }
0x19: {  	s7 =	sld [smem:$0x3F9B]  }
0x1a: {  	s8 =	sadd.s32 $0xFFFFE003, lr  }
0x1b: {  	s9 =	sadd.s32 $0xFFFFFEF7, lr;
	s5 =	simm.s32 $0xFFFFFFFF;
	p2 =	slt.u32 s8, $0xFFFFF086  }
0x1c: {  	p1 =	slt.u32 s9, $0xF7A;
	s5 =	simm.s32 @!p2 $0x0  }
0x1d: {  	s5 =	simm.s32 @p1 $0x1;
	p0 =	seq.s32 s7, s2  }
0x1e: {  	s7 =	smul.u32 @!p0 $0xF7A, s2;
	p2 =	seq.s32 @!p0 s5, $0x0  }
0x1f: {  	s9 =	smul.u32 $0xF7A, s1;
	s8 =	simm.s32 @!p0 $0x1BF5;
	p2 =	por !p2, p0  }
0x20: {  	[sflag:s8] =	ssyncset.s32 @!p0 $0xFFFFF086;
	s6 =	sadd.s32 @!p0 s3, s7;
	s7 =	simm.s32 @!p0 $0x108  }
0x21: {  	s3 =	sadd.s32 s3, s9;
	s6 =	sadd.s32 @!p0 $0x88, s6;
	s7 =	simm.s32 @p2 $0x1082  }
0x22: {  	[simem:s7], [sflag:s8] =	dma.local @!p0 [hbm:s6], $0xF7A  }
0x23: {  	s9 =	sor.u32 $0xD0000000, s2;
	s6 =	simm.s32 $0x108;
	_ =	swait.ge @!p0 [sflag:s8], $0x0  }
0x24: {  	s3 =	sadd.s32 $0x88, s3;
	s6 =	simm.s32 @!p1 $0x1082;
	[sflag:s4] =	ssyncset.s32 $0xFFFFF086  }
0x25: {  	[simem:s6], [sflag:s4] =	dma.local [hbm:s3], $0xF7A  }
0x26: {  	[smem:$0x3F9B] =	sst s1;
	(tag) =	ssettag s2;
	_ =	strace s9  }
0x27: {  	s1 =	sld [smem:$0x3FAB]  }
0x28: {  	s2 =	sld [smem:$0x3FAC]  }
0x29: {  	s4 =	sld [smem:$0x3FAE]  }
0x2a: {  	p0 =	seq.s32 s5, $0x0;
	s5 =	sld [smem:$0x3FAF]  }
0x2b: {  	s6 =	sld [smem:$0x3FB0]  }
0x2c: {  	s7 =	sld [smem:$0x3FB1]  }
0x2d: {  	s3 =	simm.s32 $0x108;
	s8 =	sld [smem:$0x3FB2]  }
0x2e: {  	s3 =	simm.s32 @!p0 $0x1082;
	s9 =	sld [smem:$0x3FB3]  }
0x2f: {  	lr =	sadd.s32 s0, s3;
	s0 =	sld [smem:$0x3FAA]  }
0x30: {  	s3 =	sld [smem:$0x3FAD]  }
0x31: {  	[smem:$0x3FB6] =	sst s10  }
0x32: {  	s10 =	sld [smem:$0x3FB4];
	_ =	sdelay $0x3  }
0x33: {  	p0 =	seq.s32 s10, $0x1;
	s10 =	sld [smem:$0x3FB6];
	_ =	sdelay $0x3  }
0x34: {  	[smem:$0x3FB6] =	sst s10  }
0x35: {  	s10 =	sld [smem:$0x3FB5];
	_ =	sdelay $0x3  }
0x36: {  	p1 =	seq.s32 s10, $0x1;
	s10 =	sld [smem:$0x3FB6];
	_ =	sdelay $0x3  }
0x37: {  	[smem:$0x3FB6] =	sst s10  }
0x38: {  	s10 =	sld [smem:$0x3FB7]  }
0x39: {  	_ = 	snop;
	(pc) =	sbr.ind lr, $3  }
0x3a: {  	_ = 	snop  }
0x3b: {  	_ = 	snop  }
0x3c: {  	p2 =	seq.s32 s10, $0x1;
	s10 =	sld [smem:$0x3FB6]  }
0x3d: {  	_ =	shalt  }
0x3e: {  	_ =	shalt  }
0x3f: {  	_ =	shalt  }
0x40: {  	_ =	shalt  }
0x41: {  	_ =	shalt  }
0x42: {  	_ =	shalt  }
0x43: {  	_ =	shalt  }
0x44: {  	_ =	shalt  }
0x45: {  	_ =	shalt  }
0x46: {  	_ =	shalt  }
0x47: {  	_ =	shalt  }
0x48: {  	_ =	shalt  }
0x49: {  	_ =	shalt  }
0x4a: {  	_ =	shalt  }
0x4b: {  	_ =	shalt  }
0x4c: {  	_ =	shalt  }
0x4d: {  	_ =	shalt  }
0x4e: {  	_ =	shalt  }
0x4f: {  	_ =	shalt  }
0x50: {  	_ =	shalt  }
0x51: {  	_ =	shalt  }
0x52: {  	_ =	shalt  }
0x53: {  	_ =	shalt  }
0x54: {  	_ =	shalt  }
0x55: {  	_ =	shalt  }
0x56: {  	_ =	shalt  }
0x57: {  	_ =	shalt  }
0x58: {  	_ =	shalt  }
0x59: {  	_ =	shalt  }
0x5a: {  	_ =	shalt  }
0x5b: {  	_ =	shalt  }
0x5c: {  	_ =	shalt  }
0x5d: {  	_ =	shalt  }
0x5e: {  	_ =	shalt  }
0x5f: {  	_ =	shalt  }
0x60: {  	_ =	shalt  }
0x61: {  	_ =	shalt  }
0x62: {  	_ =	shalt  }
0x63: {  	_ =	shalt  }
0x64: {  	_ =	shalt  }
0x65: {  	_ =	shalt  }
0x66: {  	_ =	shalt  }
0x67: {  	_ =	shalt  }
0x68: {  	_ =	shalt  }
0x69: {  	_ =	shalt  }
0x6a: {  	_ =	shalt  }
0x6b: {  	_ =	shalt  }
0x6c: {  	_ =	shalt  }
0x6d: {  	_ =	shalt  }
0x6e: {  	_ =	shalt  }
0x6f: {  	_ =	shalt  }
0x70: {  	_ =	shalt  }
0x71: {  	_ =	shalt  }
0x72: {  	_ =	shalt  }
0x73: {  	_ =	shalt  }
0x74: {  	_ =	shalt  }
0x75: {  	_ =	shalt  }
0x76: {  	_ =	shalt  }
0x77: {  	_ =	shalt  }
0x78: {  	_ =	shalt  }
0x79: {  	_ =	shalt  }
0x7a: {  	_ =	shalt  }
0x7b: {  	_ =	shalt  }
0x7c: {  	_ =	shalt  }
0x7d: {  	_ =	shalt  }
0x7e: {  	_ =	shalt  }
0x7f: {  	_ =	shalt  }
0x80: {  	_ =	shalt  }
0x81: {  	_ =	shalt  }
0x82: {  	_ =	shalt  }
0x83: {  	_ =	shalt  }
0x84: {  	_ =	shalt  }
0x85: {  	_ =	shalt  }
0x86: {  	_ =	shalt  }
0x87: {  	_ =	shalt  }
.Lfunc_end0:
.L_simem_size_0:
called_computation_lowered:
.L_overlay_start_0:
0x88: {  	s0 =	sld [smem:$0x3FD9]  }
0x89: {  	s1 =	sld [smem:$0x3FFE];
	_ =	sdelay $0x3  }
0x8a: {  	s0 =	sadd.s32 s1, s0  }
0x8b: {  	[smem:$0x3FC2] =	sst s0  }
0x8c: {  	_ = 	snop  }
0x8d: {  	s0 =	sld [smem:$0x3FD0];
	(tm) =	ssettm $0x1  }
0x8e: {  	s16 =	sld [smem:$0x3FFB];
	_ =	sdelay $0x3  }
0x8f: {  	_ =	strace s16  }
0x90: {  	s1 =	sld [smem:$0x3FFC];
	_ =	sdelay $0x3  }
0x91: {  	_ =	strace s1  }
0x92: {  	s1 =	sld [smem:$0x3FFD];
	_ =	sdelay $0x3  }
0x93: {  	_ =	strace s1  }
0x94: {  	_ =	strace $0x8FFFFFFF  }
0x95: {  	s17 =	sld [smem:$0x3FDB];
	_ =	sdelay $0x1  }
0x96: {  	s2 =	simm.s32 $_scs_section_size  }
0x97: {  	s3 =	simm.s32 $_size__tile_overlayer_lowered;
	s4 =	simm.s32 $_tile_overlayer_lowered  }
0x98: {  	s20 =	simm.s32 $0x1BFF;
	s19 =	sshll.u32 s4, $0x1;
	s1 =	sadd.s32 s2, s17  }
0x99: {  	s5 =	simm.s32 $0x0;
	s18 =	sshll.u32 s3, $0x1;
	s3 =	sadd.s32 s19, s1  }
0x9a: {  	[timem:s5], [sflag:s20] =	dma.local [hbm:s3], s18  }
0x9b: {  	_ =	swait.ge [sflag:s20], s18  }
0x9c: {  	s2 =	ssub.s32 $0x0, s18;
	[sflag:s20] =	ssyncset.done $0x0  }
0x9d: {  	[sflag:s20] =	ssyncadd.s32 s2;
	_ =	sdelay $0x1  }
0x9e: {  	s21 =	simm.s32 $0x1B8B  }
0x9f: {  	_ =	swait.ge [sflag:s21], $0x1  }
0xa0: {  	[sflag:s21] =	ssyncset.done $0x0  }
0xa1: {  	s23 =	simm.s32 $0x1B8E;
	s22 =	sld [smem:$0x3FFE];
	[sflag:s21] =	ssyncadd.s32 $0xFFFFFFFF  }
0xa2: {  	s24 =	simm.s32 $execute0_lowered;
	[smem:$0x3FD2] =	sst s23  }
0xa3: {  	s3 =	sshll.u32 s24, $0x1;
	_ =	strace $0x80000046;
	[dreg:$0x1] =	wrdreg $0xFFFFFFFF  }
0xa4: {  	s25 =	simm.s32 $_size_execute0_lowered;
	s1 =	sadd.s32 s1, s3;
	[dreg:$0x0] =	wrdreg $0x0  }
0xa5: {  	s3 =	sshll.u32 s25, $0x1;
	[dreg:$0x2] =	wrdreg s1  }
0xa6: {  	[dreg:$0x3] =	wrdreg s3  }
0xa7: {  	[dreg:$0x4] =	wrdreg $0xC0  }
0xa8: {  	_ =	task [dreg:s5], $0x5FFFF  }
0xa9: {  	[dreg:$0x1] =	wrdreg $0xFFFFFFFF  }
0xaa: {  	[dreg:$0x0] =	wrdreg $0x60  }
0xab: {  	[dreg:$0x2] =	wrdreg s22  }
0xac: {  	[dreg:$0x3] =	wrdreg s0  }
0xad: {  	[dreg:$0x4] =	wrdreg $0x27800  }
0xae: {  	[dreg:$0x5] =	wrdreg $0x0  }
0xaf: {  	[dreg:$0x6] =	wrdreg $0x9  }
0xb0: {  	_ =	task.clear_ibuf [dreg:s5], $0x7FFFF;
	_ =	strace $0x90000046  }
0xb1: {  	s26 =	simm.s32 $0x9;
	_ =	strace $0x80000048  }
0xb2: {  	_ =	swait.ge [sflag:s26], $0x1  }
0xb3: {  	[sflag:s26] =	ssyncadd.s32 $0xFFFFFFFF  }
0xb4: {  	_ =	strace $0x90000048  }
0xb5: {  	_ =	sfence  }
0xb6: {  	s28 =	sld [smem:$0x0];
	_ =	sdelay $0x1  }
0xb7: {  	s29 =	srdreg.scid  }
0xb8: {  	s30 =	sshll.u32 s29, $0xD;
	s31 =	sshrl.u32 s29, $0x2  }
0xb9: {  	s2 =	sand.u32 $0x4000, s30;
	s1 =	sand.u32 $0x1, s29;
	s0 =	sadd.s32 s31, s28  }
0xba: {  	s1 =	sor.u32 s2, s1;
	s0 =	sshll.u32 s0, $0x11  }
0xbb: {  	s0 =	sor.u32 s0, s1  }
0xbc: {  	s0 =	sadd.s32 $0x8F2B, s0  }
0xbd: {  	[sflag:s0] =	ssyncadd.remote.s32 $0x1  }
0xbe: {  	_ =	sfence.sel $0xFFFF  }
0xbf: {  	[dreg:$0x0] =	wrdreg $0xFFFFFFFF;
	(pc) =	sbr.abs _section_cstart, $3  }
0xc0: {  	[dreg:$0x1] =	wrdreg $0xFFFFFFFF  }
0xc1: {  	_ =	task.clear_ibuf [dreg:s5], $0x2FFFF;
	_ =	strace $0x9FFFFFFF  }
0xc2: {  	(tm) =	ssettm $0x7FFFFFFF  }
0xc3: {  	_ =	shalt  }
tec
execute0_lowered:
.L_overlay_start_1:
0x0: {  	(tag) =	ssettag $0x1  }
0x1: {  	s6 =	rddreg [dreg:$0x0]  }
0x2: {  	s5 =	rddreg [dreg:$0x1]  }
0x3: {  	s2 =	rddreg [dreg:$0x2];
	s0 =	stileid.u32  }
0x4: {  	s3 =	rddreg [dreg:$0x3];
	s4 =	smul.u32 $0x9D0, s0  }
0x5: {  	s1 =	rddreg [dreg:$0x4];
	s8 =	simm.s32 $0x0  }
0x6: {  	s9 =	simm.s32 $0x4F00;
	[smem:$0x7FF] =	sst s8;
	s4 =	sadd.s32 s4, s6  }
0x7: {  	s30 =	simm.s32 $0x3;
	_ =	strace $0x80000047;
	s7 =	sadd.s32 $0xAC00, s4  }
0x8: {  	[tilespmem:s9], [sflag:$0x3] =	stream.linear.gather [hbm4b:s7+s8], $0x4E80, $0x38;
	[tilespmem:$0x1C180] =	vst v63  }
0x9: {  	_ =	swait.ge [sflag:s30], $0x4E80  }
0xa: {  	s10 =	simm.s32 $0x9D80;
	[sflag:s30] =	ssyncset.done $0x0  }
0xb: {  	s4 =	sadd.s32 $0xE00, s4;
	s7 =	smul.u32 $0x2780, s0;
	[sflag:s30] =	ssyncadd.s32 $0xFFFFB180  }
0xc: {  	[tilespmem:s10], [sflag:$0x3] =	stream.linear.gather [hbm4b:s4+s8], $0x4E80, $0x38;
	[tilespmem:$0x1C180] =	vst v63  }
0xd: {  	_ =	swait.ge [sflag:s30], $0x4E80  }
0xe: {  	s4 =	sshrl.u32 s7, $0x3;
	[sflag:s30] =	ssyncset.done $0x0  }
0xf: {  	s31 =	simm.s32 $0x12380;
	s5 =	sadd.s32 s5, s4;
	[sflag:s30] =	ssyncadd.s32 $0xFFFFB180  }
0x10: {  	[tilespmem:s31], [sflag:$0x3] =	stream.linear.gather [hbm4b:s5+s8], $0x2780, $0x38;
	[tilespmem:$0x1C180] =	vst v63  }
0x11: {  	_ =	swait.ge [sflag:s30], $0x2780  }
0x12: {  	s9 =	simm.s32 $0x0;
	s5 =	sadd.s32 $0x19A00, s6;
	[sflag:s30] =	ssyncset.done $0x0  }
0x13: {  	v0 =	vimm.f32 $0.0e+00;
	s8 =	sadd.s32 $0x14A00, s6;
	s6 =	simm.s32 $0x40;
	[sflag:s30] =	ssyncadd.s32 $0xFFFFD880  }
.LBB2_1:
0x14: {  	p0 =	sne.s32 s6, $0x9DC0;
	[tilespmem:s9+$0xFC00] =	vst v0;
	s9 =	smov.u32 s6;
	s6 =	sadd.s32 $0x40, s6  }
.Ltmp0:
0x15: {  	(pc) =	sbr.rel @p0 .LBB2_1-.Ltmp0, $2  }
0x16: {  	_ =	sdelay $0x2  }
0x17: {  	s9 =	sshra.s32 s9, $0x2  }
0x18: {  	[tilespmem:s9+$0xFC00] =	vst v0;
	s6 =	sadd.s32 s7, s2;
	s30 =	simm.s32 $0xFC00;
	s31 =	simm.s32 $0x3  }
0x19: {  	[spmem:s6] =	stream.linear.scatter [tilespmem:s30], [sflag:$0x3], $0x2780, $0x38;
	[tilespmem:$0x1C180] =	vst v63  }
0x1a: {  	_ =	swait.ge [sflag:s31], $0x2780  }
0x1b: {  	[sflag:s31] =	ssyncset.done $0x0  }
0x1c: {  	v0 =	vimm.f32 $1.000000000e+00;
	s9 =	simm.s32 $0x40;
	s10 =	simm.s32 $0x0;
	[sflag:s31] =	ssyncadd.s32 $0xFFFFD880  }
.LBB2_3:
0x1d: {  	p0 =	sne.s32 s9, $0x1FC0;
	[tilespmem:s10+$0xEC00] =	vst v0;
	s10 =	smov.u32 s9;
	s9 =	sadd.s32 $0x40, s9  }
.Ltmp1:
0x1e: {  	(pc) =	sbr.rel @p0 .LBB2_3-.Ltmp1, $2  }
0x1f: {  	_ =	sdelay $0x2  }
0x20: {  	s10 =	sshra.s32 s10, $0x2  }
0x21: {  	[tilespmem:s10+$0xEC00] =	vst v0;
	s9 =	simm.s32 $0x80  }
0x22: {  	s10 =	simm.s32 $0xEC00;
	s11 =	simm.s32 $0x9D80;
	[bflag:$0x0] =	sbarrier.arrive $0xFFFF  }
0x23: {  	[spmem:s2] =	stream.indirect.scatter.add.f32 [tilespmem:s10], [sflag:$0x3], $0x10, s11, s9, $0xb8;
	[tilespmem:$0x1C180] =	vst v63  }
0x24: {  	s11 =	simm.s32 $0x3  }
0x25: {  	s12 =	simm.s32 $0x200;
	_ =	swait.ge [sflag:s11], $0x800  }
.LBB2_5:
0x26: {  	s13 =	sshra.s32 s12, $0x2;
	[sflag:s11] =	ssyncset.done $0x0;
	p0 =	sne.s32 s12, $0x13800  }
.Ltmp2:
0x27: {  	s13 =	sadd.s32 $0x9D80, s13;
	[sflag:s11] =	ssyncadd.s32 $0xFFFFF800;
	(pc) =	sbr.rel @p0 .LBB2_5-.Ltmp2, $3  }
0x28: {  	[spmem:s2] =	stream.indirect.scatter.add.f32 [tilespmem:s10], [sflag:$0x3], $0x10, s13, s9, $0xb8;
	[tilespmem:$0x1C180] =	vst v63  }
0x29: {  	s12 =	sadd.s32 $0x200, s12;
	_ =	sdelay $0x1  }
0x2a: {  	_ =	swait.ge [sflag:s11], $0x800  }
0x2b: {  	[sflag:s11] =	ssyncset.done $0x0  }
0x2c: {  	[sflag:s11] =	ssyncadd.s32 $0xFFFFF800  }
0x2d: {  	s9 =	simm.s32 $0xFC00;
	s31 =	simm.s32 $0x3;
	[bflag:$0x0] =	sbarrier.arrive $0xFFFF  }
0x2e: {  	[tilespmem:s9], [sflag:$0x3] =	stream.linear.gather [spmem:s6], $0x2780, $0x38;
	[tilespmem:$0x1C180] =	vst v63  }
0x2f: {  	_ =	swait.ge [sflag:s31], $0x2780  }
0x30: {  	[sflag:s31] =	ssyncset.done $0x0  }
0x31: {  	s13 =	simm.s32 $0x0;
	[sflag:s31] =	ssyncadd.s32 $0xFFFFD880  }
0x32: {  	v0 =	vld [tilespmem:s13+$0xFC00];
	_ =	sdelay $0x4  }
0x33: {  	v6 =	vadd.f32 $1.000000000e+00, v0  }
0x34: {  	v3 =	vimm.f32 $0.0e+00  }
0x35: {  	s11 =	simm.s32 $0x10;
	[tilespmem:s13+$0xFC00] =	vst v3;
	v1 =	vmul.f32 $5.000000000e-01, v6;
	v0 =	vshra.s32 v6, $0x1  }
0x36: {  	v2 =	vld [tilespmem:s11+$0xFC00];
	v0 =	vsub.s32 $0x5F3759DF, v0  }
0x37: {  	v4 =	vmul.f32 v0, v1;
	_ =	sdelay $0x1  }
0x38: {  	v4 =	vmul.f32 v0, v4;
	_ =	sdelay $0x1  }
0x39: {  	v2 =	vadd.f32 $1.000000000e+00, v2;
	v4 =	vsub.f32 $1.500000000e+00, v4  }
0x3a: {  	s9 =	simm.s32 $0x20;
	[tilespmem:s11+$0xFC00] =	vst v3  }
0x3b: {  	v5 =	vld [tilespmem:s9+$0xFC00];
	v12 =	vmul.f32 $5.000000000e-01, v2;
	v7 =	vshra.s32 v2, $0x1;
	v4 =	vmul.f32 v0, v4  }
0x3c: {  	v7 =	vsub.s32 $0x5F3759DF, v7  }
0x3d: {  	v0 =	vmul.f32 v7, v12;
	v8 =	vmul.f32 v4, v1;
	_ =	sdelay $0x1  }
0x3e: {  	v9 =	vmul.f32 v7, v0;
	v8 =	vmul.f32 v8, v4  }
0x3f: {  	v0 =	vadd.f32 $1.000000000e+00, v5  }
0x40: {  	v9 =	vsub.f32 $1.500000000e+00, v9;
	v8 =	vsub.f32 $1.500000000e+00, v8  }
0x41: {  	s10 =	simm.s32 $0x30;
	[tilespmem:s9+$0xFC00] =	vst v3;
	v5 =	vmul.f32 $5.000000000e-01, v0;
	v10 =	vshra.s32 v0, $0x1  }
0x42: {  	v11 =	vld [tilespmem:s10+$0xFC00];
	v7 =	vmul.f32 v7, v9;
	v9 =	vsub.s32 $0x5F3759DF, v10;
	v10 =	vmul.f32 v8, v4  }
0x43: {  	v4 =	vmul.f32 v9, v5  }
0x44: {  	v8 =	vmul.f32 v7, v12;
	v1 =	vmul.f32 v10, v1  }
0x45: {  	v4 =	vmul.f32 v9, v4  }
0x46: {  	v8 =	vmul.f32 v8, v7;
	v13 =	vmul.f32 v1, v10  }
0x47: {  	s12 =	simm.s32 $0x40;
	[tilespmem:s10+$0xFC00] =	vst v3;
	v1 =	vadd.f32 $1.000000000e+00, v11;
	v11 =	vsub.f32 $1.500000000e+00, v4  }
0x48: {  	v16 =	vld [tilespmem:s12+$0xFC00];
	v14 =	vsub.f32 $1.500000000e+00, v8;
	v13 =	vsub.f32 $1.500000000e+00, v13  }
0x49: {  	v4 =	vmul.f32 $5.000000000e-01, v1;
	v15 =	vshra.s32 v1, $0x1;
	v8 =	vmul.f32 v9, v11  }
0x4a: {  	v7 =	vmul.f32 v14, v7;
	v11 =	vld [tilespmem:s13+$0x12380];
	v9 =	vsub.s32 $0x5F3759DF, v15;
	v10 =	vmul.f32 v13, v10  }
0x4b: {  	v13 =	vmul.f32 v9, v4;
	v17 =	vmul.f32 v8, v5  }
0x4c: {  	v18 =	vmul.f32 v7, v12;
	v19 =	vmul.f32 v10, v6  }
0x4d: {  	[tilespmem:s12+$0xFC00] =	vst v3;
	v14 =	vmul.f32 v9, v13;
	v15 =	vmul.f32 $8.999999760e-01, v10;
	v6 =	vadd.f32 $1.000000000e+00, v16  }
0x4e: {  	s14 =	simm.s32 $0x140;
	v12 =	vmul.f32 v17, v8;
	v13 =	vmul.f32 v18, v7;
	[tilespmem:s13+$0x19A00] =	vst v19  }
.LBB2_7:
0x4f: {  	s15 =	sshra.s32 s14, $0x2;
	p0 =	sne.s32 s14, $0x9DC0;
	s14 =	sadd.s32 $0x40, s14;
	v14 =	vsub.f32 $1.500000000e+00, v14;
	v15 =	vmul.f32 v15, v10;
	v10 =	vmul.f32 v10, v11;
	v16 =	vmovc v6  }
0x50: {  	v6 =	vld [tilespmem:s15+$0xFC00];
	v17 =	vmul.f32 $5.000000000e-01, v16;
	v11 =	vsub.f32 $1.500000000e+00, v12;
	v12 =	vsub.f32 $1.500000000e+00, v13  }
0x51: {  	v13 =	vshra.s32 v16, $0x1;
	v14 =	vmul.f32 v9, v14;
	[tilespmem:s13+$0x12380] =	vst v10;
	v18 =	vmul.f32 $1.000000010e-01, v10  }
.Ltmp3:
0x52: {  	v9 =	vsub.s32 $0x5F3759DF, v13;
	v10 =	vmul.f32 v12, v7;
	v7 =	vmul.f32 v11, v8;
	v11 =	vld [tilespmem:s11+$0x12380];
	[tilespmem:s13+$0x14B00] =	vst v15;
	(pc) =	sbr.rel @p0 .LBB2_7-.Ltmp3, $4  }
0x53: {  	v12 =	vmul.f32 v9, v17;
	v13 =	vmul.f32 v14, v4;
	[tilespmem:s13+$0x17280] =	vst v18;
	v8 =	vmov v14;
	s13 =	smov.u32 s11;
	s11 =	smov.u32 s9;
	s9 =	smov.u32 s10  }
0x54: {  	s10 =	smov.u32 s12;
	s12 =	smov.u32 s15;
	[tilespmem:s15+$0xFC00] =	vst v3;
	v18 =	vmul.f32 v7, v5;
	v19 =	vmul.f32 v10, v2;
	v5 =	vmovc v4;
	v4 =	vmov v17  }
0x55: {  	v14 =	vmul.f32 v9, v12;
	v15 =	vmul.f32 $8.999999760e-01, v10;
	v2 =	vmovc v0;
	v0 =	vmovc v1;
	v6 =	vadd.f32 $1.000000000e+00, v6  }
0x56: {  	v1 =	vmov v16;
	v12 =	vmul.f32 v13, v8;
	v13 =	vmul.f32 v18, v7;
	[tilespmem:s13+$0x19A00] =	vst v19  }
0x57: {  	v3 =	vmul.f32 v10, v11;
	_ =	sdelay $0x1  }
0x58: {  	v46 =	vsub.f32 $1.500000000e+00, v14;
	v47 =	vmul.f32 v15, v10;
	[tilespmem:s13+$0x12380] =	vst v3  }
0x59: {  	v48 =	vmul.f32 $5.000000000e-01, v6;
	v12 =	vsub.f32 $1.500000000e+00, v12;
	v13 =	vsub.f32 $1.500000000e+00, v13;
	v49 =	vld [tilespmem:s11+$0x12380]  }
0x5a: {  	v50 =	vshra.s32 v6, $0x1;
	v9 =	vmul.f32 v9, v46;
	v3 =	vmul.f32 $1.000000010e-01, v3  }
0x5b: {  	v11 =	vsub.s32 $0x5F3759DF, v50;
	v8 =	vmul.f32 v12, v8;
	v7 =	vmul.f32 v13, v7  }
0x5c: {  	v51 =	vmul.f32 v11, v48;
	v52 =	vmul.f32 v9, v4  }
0x5d: {  	[tilespmem:s13+$0x14B00] =	vst v47;
	v5 =	vmul.f32 v8, v5;
	v2 =	vmul.f32 v7, v2  }
0x5e: {  	[tilespmem:s13+$0x17280] =	vst v3;
	v3 =	vmul.f32 v11, v51;
	v53 =	vmul.f32 v7, v49  }
0x5f: {  	v54 =	vmul.f32 v52, v9;
	v5 =	vmul.f32 v5, v8;
	[tilespmem:s11+$0x19A00] =	vst v2  }
0x60: {  	v3 =	vsub.f32 $1.500000000e+00, v3;
	v2 =	vmul.f32 $8.999999760e-01, v7;
	[tilespmem:s11+$0x12380] =	vst v53  }
0x61: {  	v12 =	vsub.f32 $1.500000000e+00, v54;
	v5 =	vsub.f32 $1.500000000e+00, v5;
	v55 =	vld [tilespmem:s9+$0x12380]  }
0x62: {  	v3 =	vmul.f32 v11, v3;
	v2 =	vmul.f32 v2, v7  }
0x63: {  	v56 =	vmul.f32 v12, v9;
	v5 =	vmul.f32 v5, v8  }
0x64: {  	v57 =	vmul.f32 $1.000000010e-01, v53;
	v58 =	vmul.f32 v3, v48  }
0x65: {  	[tilespmem:s11+$0x14B00] =	vst v2;
	v2 =	vmul.f32 v56, v4;
	v0 =	vmul.f32 v5, v0  }
0x66: {  	[tilespmem:s11+$0x17280] =	vst v57;
	v60 =	vmul.f32 v58, v3;
	v59 =	vmul.f32 v5, v55  }
0x67: {  	v2 =	vmul.f32 v2, v56;
	[tilespmem:s9+$0x19A00] =	vst v0  }
0x68: {  	v8 =	vsub.f32 $1.500000000e+00, v60;
	[tilespmem:s9+$0x12380] =	vst v59  }
0x69: {  	v0 =	vmul.f32 $8.999999760e-01, v5;
	v2 =	vsub.f32 $1.500000000e+00, v2;
	v61 =	vld [tilespmem:s10+$0x12380]  }
0x6a: {  	v3 =	vmul.f32 v8, v3  }
0x6b: {  	v0 =	vmul.f32 v0, v5;
	v2 =	vmul.f32 v2, v56  }
0x6c: {  	v4 =	vmul.f32 $1.000000010e-01, v59  }
0x6d: {  	[tilespmem:s9+$0x14B00] =	vst v0;
	v0 =	vmul.f32 v3, v48;
	v1 =	vmul.f32 v2, v1  }
0x6e: {  	[tilespmem:s9+$0x17280] =	vst v4;
	v62 =	vmul.f32 v2, v61  }
0x6f: {  	v0 =	vmul.f32 v0, v3;
	[tilespmem:s10+$0x19A00] =	vst v1  }
0x70: {  	[tilespmem:s10+$0x12380] =	vst v62  }
0x71: {  	v1 =	vmul.f32 $8.999999760e-01, v2;
	v0 =	vsub.f32 $1.500000000e+00, v0;
	v63 =	vld [tilespmem:s12+$0x12380];
	_ =	sdelay $0x1  }
0x72: {  	v1 =	vmul.f32 v1, v2;
	v0 =	vmul.f32 v0, v3  }
0x73: {  	v2 =	vmul.f32 $1.000000010e-01, v62  }
0x74: {  	[tilespmem:s10+$0x14B00] =	vst v1;
	v1 =	vmul.f32 v0, v6;
	v3 =	vmul.f32 $8.999999760e-01, v0  }
0x75: {  	[tilespmem:s10+$0x17280] =	vst v2;
	v2 =	vmul.f32 v0, v63  }
0x76: {  	[tilespmem:s12+$0x19A00] =	vst v1;
	v0 =	vmul.f32 v3, v0  }
0x77: {  	[tilespmem:s12+$0x12380] =	vst v2;
	v1 =	vmul.f32 $1.000000010e-01, v2  }
0x78: {  	s30 =	sadd.s32 s8, s4;
	[tilespmem:s12+$0x14B00] =	vst v0  }
0x79: {  	s8 =	simm.s32 $0x0;
	s31 =	simm.s32 $0x19A00;
	s9 =	simm.s32 $0x3;
	[tilespmem:s12+$0x17280] =	vst v1  }
0x7a: {  	[hbm4b:s30+s8] =	stream.linear.scatter [tilespmem:s31], [sflag:$0x3], $0x2780, $0x38;
	[tilespmem:$0x1C180] =	vst v63  }
0x7b: {  	_ =	swait.ge [sflag:s9], $0x2780  }
0x7c: {  	[sflag:s9] =	ssyncset.done $0x0  }
0x7d: {  	s7 =	sadd.s32 s7, s3;
	s10 =	simm.s32 $0x12380;
	[sflag:s9] =	ssyncadd.s32 $0xFFFFD880  }
0x7e: {  	[spmem:s7] =	stream.linear.scatter [tilespmem:s10], [sflag:$0x3], $0x2780, $0x38;
	[tilespmem:$0x1C180] =	vst v63  }
0x7f: {  	_ =	swait.ge [sflag:s9], $0x2780  }
0x80: {  	[sflag:s9] =	ssyncset.done $0x0  }
0x81: {  	s11 =	simm.s32 $0xFC00;
	[sflag:s9] =	ssyncadd.s32 $0xFFFFD880  }
0x82: {  	[spmem:s6] =	stream.linear.scatter [tilespmem:s11], [sflag:$0x3], $0x2780, $0x38;
	[tilespmem:$0x1C180] =	vst v63  }
0x83: {  	s14 =	simm.s32 $0xEC00;
	_ =	swait.ge [sflag:s9], $0x2780  }
0x84: {  	s15 =	simm.s32 $0x1;
	s16 =	simm.s32 $0xF400;
	[sflag:s9] =	ssyncset.done $0x0  }
0x85: {  	s17 =	simm.s32 $0x2;
	s18 =	simm.s32 $0xEB80;
	[sflag:s9] =	ssyncadd.s32 $0xFFFFD880  }
0x86: {  	s13 =	simm.s32 $0x4F00;
	v0 =	vimm.f32 $0.0e+00;
	s12 =	simm.s32 $0x80;
	[bflag:$0x0] =	sbarrier.arrive $0xFFFF  }
.LBB2_9:
0x87: {  	[tilespmem:s14], [sflag:$0x1] =	stream.indirect.gather [spmem:s3], $0x10, s13, s12, $0xb8;
	[tilespmem:$0x1C180] =	vst v63  }
0x88: {  	_ =	swait.ge [sflag:s15], $0x800  }
0x89: {  	[sflag:s15] =	ssyncset.done $0x0  }
0x8a: {  	s19 =	simm.s32 $0x4F80;
	[sflag:s15] =	ssyncadd.s32 $0xFFFFF800  }
0x8b: {  	[tilespmem:s16], [sflag:$0x2] =	stream.indirect.gather [spmem:s3], $0x10, s19, s12, $0xb8;
	[tilespmem:$0x1C180] =	vst v63  }
0x8c: {  	s29 =	simm.s32 $0x9D80  }
0x8d: {  	[spmem:s2] =	stream.indirect.scatter.add.f32 [tilespmem:s14], [sflag:$0x3], $0x10, s29, s12, $0xb8;
	[tilespmem:$0x1C180] =	vst v63  }
0x8e: {  	_ =	swait.ge [sflag:s9], $0x800  }
0x8f: {  	[sflag:s9] =	ssyncset.done $0x0  }
0x90: {  	s30 =	simm.s32 $0x5000;
	[sflag:s9] =	ssyncadd.s32 $0xFFFFF800  }
0x91: {  	[tilespmem:s14], [sflag:$0x1] =	stream.indirect.gather [spmem:s3], $0x10, s30, s12, $0xb8;
	[tilespmem:$0x1C180] =	vst v63  }
0x92: {  	_ =	swait.ge [sflag:s17], $0x800  }
0x93: {  	[sflag:s17] =	ssyncset.done $0x0  }
0x94: {  	s31 =	simm.s32 $0x9E00;
	[sflag:s17] =	ssyncadd.s32 $0xFFFFF800  }
0x95: {  	[spmem:s2] =	stream.indirect.scatter.add.f32 [tilespmem:s16], [sflag:$0x3], $0x10, s31, s12, $0xb8;
	[tilespmem:$0x1C180] =	vst v63  }
0x96: {  	_ =	swait.ge [sflag:s9], $0x800  }
0x97: {  	s19 =	simm.s32 $0x400;
	[sflag:s9] =	ssyncset.done $0x0  }
.LBB2_10:
0x98: {  	p0 =	sne.s32 s19, $0x13400  }
0x99: {  	[sflag:s9] =	ssyncadd.s32 $0xFFFFF800;
	s20 =	smov.u32 s19;
	s19 =	sadd.s32 $0x400, s19  }
0x9a: {  	_ =	swait.ge [sflag:s15], $0x800  }
0x9b: {  	s20 =	sshra.s32 s20, $0x2;
	[sflag:s15] =	ssyncset.done $0x0  }
0x9c: {  	s21 =	sadd.s32 $0x4F80, s20;
	[sflag:s15] =	ssyncadd.s32 $0xFFFFF800  }
0x9d: {  	[tilespmem:s16], [sflag:$0x2] =	stream.indirect.gather [spmem:s3], $0x10, s21, s12, $0xb8;
	[tilespmem:$0x1C180] =	vst v63  }
0x9e: {  	s21 =	sadd.s32 $0x9D80, s20  }
0x9f: {  	[spmem:s2] =	stream.indirect.scatter.add.f32 [tilespmem:s14], [sflag:$0x3], $0x10, s21, s12, $0xb8;
	[tilespmem:$0x1C180] =	vst v63  }
0xa0: {  	_ =	swait.ge [sflag:s9], $0x800  }
0xa1: {  	[sflag:s9] =	ssyncset.done $0x0  }
0xa2: {  	s21 =	sadd.s32 $0x5000, s20;
	[sflag:s9] =	ssyncadd.s32 $0xFFFFF800  }
0xa3: {  	[tilespmem:s14], [sflag:$0x1] =	stream.indirect.gather [spmem:s3], $0x10, s21, s12, $0xb8;
	[tilespmem:$0x1C180] =	vst v63  }
0xa4: {  	_ =	swait.ge [sflag:s17], $0x800  }
.Ltmp4:
0xa5: {  	[sflag:s17] =	ssyncset.done $0x0;
	(pc) =	sbr.rel @p0 .LBB2_10-.Ltmp4, $4  }
0xa6: {  	s20 =	sadd.s32 $0x9E00, s20;
	[sflag:s17] =	ssyncadd.s32 $0xFFFFF800  }
0xa7: {  	[spmem:s2] =	stream.indirect.scatter.add.f32 [tilespmem:s16], [sflag:$0x3], $0x10, s20, s12, $0xb8;
	[tilespmem:$0x1C180] =	vst v63  }
0xa8: {  	_ =	swait.ge [sflag:s9], $0x800  }
0xa9: {  	[sflag:s9] =	ssyncset.done $0x0  }
0xaa: {  	[sflag:s9] =	ssyncadd.s32 $0xFFFFF800  }
0xab: {  	_ =	swait.ge [sflag:s15], $0x800  }
0xac: {  	[sflag:s15] =	ssyncset.done $0x0  }
0xad: {  	[sflag:s15] =	ssyncadd.s32 $0xFFFFF800  }
0xae: {  	[spmem:s2] =	stream.indirect.scatter.add.f32 [tilespmem:s14], [sflag:$0x3], $0x10, s18, s12, $0xb8;
	[tilespmem:$0x1C180] =	vst v63  }
0xaf: {  	_ =	swait.ge [sflag:s9], $0x800  }
0xb0: {  	[sflag:s9] =	ssyncset.done $0x0  }
0xb1: {  	[sflag:s9] =	ssyncadd.s32 $0xFFFFF800  }
0xb2: {  	[bflag:$0x0] =	sbarrier.arrive $0xFFFF  }
0xb3: {  	[tilespmem:s11], [sflag:$0x3] =	stream.linear.gather [spmem:s6], $0x2780, $0x38;
	[tilespmem:$0x1C180] =	vst v63  }
0xb4: {  	_ =	swait.ge [sflag:s9], $0x2780  }
0xb5: {  	[sflag:s9] =	ssyncset.done $0x0  }
0xb6: {  	s19 =	simm.s32 $0x0;
	[sflag:s9] =	ssyncadd.s32 $0xFFFFD880  }
0xb7: {  	s20 =	simm.s32 $0x40;
	v1 =	vld [tilespmem:s19+$0xFC00]  }
.LBB2_12:
0xb8: {  	p0 =	sne.s32 s20, $0x9DC0;
	v2 =	vld [tilespmem:s19+$0x12380];
	[tilespmem:s19+$0xFC00] =	vst v0;
	_ =	sdelay $0x1  }
0xb9: {  	v3 =	vld [tilespmem:s19+$0x14B00];
	_ =	sdelay $0x1  }
0xba: {  	v4 =	vld [tilespmem:s19+$0x17280]  }
0xbb: {  	v1 =	vadd.f32 v2, v1;
	_ =	sdelay $0x1  }
.Ltmp5:
0xbc: {  	v1 =	vmul.f32 v1, v3;
	(pc) =	sbr.rel @p0 .LBB2_12-.Ltmp5, $4  }
0xbd: {  	_ = 	snop  }
0xbe: {  	v2 =	vadd.f32 v1, v4  }
0xbf: {  	s21 =	sshra.s32 s20, $0x2  }
0xc0: {  	s20 =	sadd.s32 $0x40, s20;
	v1 =	vld [tilespmem:s21+$0xFC00];
	[tilespmem:s19+$0x12380] =	vst v2;
	s19 =	smov.u32 s21  }
0xc1: {  	v2 =	vld [tilespmem:s19+$0x12380];
	_ =	sdelay $0x1  }
0xc2: {  	v3 =	vld [tilespmem:s19+$0x14B00];
	_ =	sdelay $0x1  }
0xc3: {  	v4 =	vld [tilespmem:s19+$0x17280]  }
0xc4: {  	v1 =	vadd.f32 v2, v1;
	_ =	sdelay $0x1  }
0xc5: {  	v1 =	vmul.f32 v1, v3;
	_ =	sdelay $0x1  }
0xc6: {  	v1 =	vadd.f32 v1, v4  }
0xc7: {  	[tilespmem:s19+$0xFC00] =	vst v0  }
0xc8: {  	[tilespmem:s19+$0x12380] =	vst v1  }
0xc9: {  	[spmem:s7] =	stream.linear.scatter [tilespmem:s10], [sflag:$0x3], $0x2780, $0x38;
	[tilespmem:$0x1C180] =	vst v63  }
0xca: {  	_ =	swait.ge [sflag:s9], $0x2780  }
0xcb: {  	s8 =	sadd.s32 $0x1, s8;
	[sflag:s9] =	ssyncset.done $0x0  }
0xcc: {  	p0 =	sne.s32 s8, $0xA;
	[sflag:s9] =	ssyncadd.s32 $0xFFFFD880  }
0xcd: {  	[spmem:s6] =	stream.linear.scatter [tilespmem:s11], [sflag:$0x3], $0x2780, $0x38;
	[tilespmem:$0x1C180] =	vst v63  }
.Ltmp6:
0xce: {  	_ =	swait.ge [sflag:s9], $0x2780;
	(pc) =	sbr.rel @p0 .LBB2_9-.Ltmp6, $3  }
0xcf: {  	[sflag:s9] =	ssyncset.done $0x0  }
0xd0: {  	[sflag:s9] =	ssyncadd.s32 $0xFFFFD880  }
0xd1: {  	[bflag:$0x0] =	sbarrier.arrive $0xFFFF;
	_ =	sdelay $0x1  }
0xd2: {  	s2 =	sadd.s32 s5, s4  }
0xd3: {  	s3 =	simm.s32 $0x0;
	s30 =	simm.s32 $0x12380;
	s31 =	simm.s32 $0x3  }
0xd4: {  	[hbm4b:s2+s3] =	stream.linear.scatter [tilespmem:s30], [sflag:$0x3], $0x2780, $0x38;
	[tilespmem:$0x1C180] =	vst v63  }
0xd5: {  	_ =	swait.ge [sflag:s31], $0x2780  }
0xd6: {  	[sflag:s31] =	ssyncset.done $0x0  }
0xd7: {  	[sflag:s31] =	ssyncadd.s32 $0xFFFFD880  }
0xd8: {  	_ =	sfence.sel $0x180000  }
0xd9: {  	[bflag:$0x0] =	sbarrier.arrive $0xFFFF  }
0xda: {  	p0 =	sne.s32 s0, $0x0;
	_ =	strace $0x90000047  }
0xdb: {  	s0 =	sadd.s32 @!p0 $0x100000, s1;
	[bflag:$0x2] =	sbarrier.arrive $0xFFFF  }
0xdc: {  	[sflag:s0] =	ssyncadd.tile.s32 @!p0 $0x1;
	_ =	shalt  }
.Lfunc_end2:
_tile_overlayer_lowered:
.L_overlay_start_2:
0xdd: {  	(tag) =	ssettag $0x2  }
0xde: {  	s0 =	rddreg [dreg:$0x0];
	s2 =	stileid.u32  }
0xdf: {  	s1 =	rddreg [dreg:$0x1];
	p0 =	sne.s32 s2, $0x0  }
0xe0: {  	s3 =	rddreg [dreg:$0x2];
	[bflag:$0x3] =	sbarrier.arrive $0xFFFF;
	s2 =	simm.s32 @!p0 $0x1C03  }
0xe1: {  	[timem:s3], [sflag:s2] =	dma.local @!p0 [hbm:s0], s1  }
0xe2: {  	s0 =	simm.s32 @!p0 $0x3  }
0xe3: {  	_ =	swait.ge @!p0 [sflag:s0], s1  }
0xe4: {  	s1 =	ssub.s32 @!p0 $0x0, s1;
	[sflag:s0] =	ssyncset.done @!p0 $0x0  }
0xe5: {  	[sflag:s0] =	ssyncadd.s32 @!p0 s1  }
0xe6: {  	[bflag:$0x3] =	sbarrier.arrive $0xFFFF  }
0xe7: {  	_ =	shalt  }

</sc_bundles>
